<compile_context>
chip_gen: v7x
topology: tpu7x:2x2x1
jax: 0.10.2.dev20260603
libtpu: 0.0.44.dev20260713+nightly
codegen_flags: <defaults>
</compile_context>

<pallas_src>
import functools

import jax
import jax.numpy as jnp
from jax import lax
from jax.experimental import pallas as pl
from jax.experimental.pallas import tpu as pltpu
from jax.experimental.pallas import tpu_sc as plsc

N = 10000
NP = 10240
E = 160000
D_IN = 256
D_HID = 512
D_OUT = 256

F = 128
K = 128
BM = 320
NBLK = NP // BM
ROWS_PER_TILE = NP // 16
EB = E // K

_MESH = plsc.VectorSubcoreMesh(core_axis_name="c", subcore_axis_name="s")


def _split(nworkers, wid):
    per = EB // nworkers
    extra = EB - per * nworkers
    first = wid * per + jnp.minimum(wid, extra)
    num = per + jnp.where(wid < extra, 1, 0)
    return first, num


@functools.partial(
    pl.kernel,
    out_type=jax.ShapeDtypeStruct((2 * NP, F), jnp.float32),
    mesh=_MESH,
    scratch_types=[
        pltpu.VMEM((K,), jnp.int32),
        pltpu.VMEM((K, F), jnp.float32),
        pltpu.VMEM_SHARED((NP, F), jnp.float32),
    ],
)
def _hist(dst_hbm, ones_hbm, zeros_hbm, out_hbm, dstv, onesv, hist_sh):
    cid = lax.axis_index("c")
    sid = lax.axis_index("s")
    wid = cid * 16 + sid
    pltpu.sync_copy(ones_hbm, onesv)
    pltpu.sync_copy(zeros_hbm, hist_sh.at[pl.ds(sid * ROWS_PER_TILE, ROWS_PER_TILE)])
    plsc.subcore_barrier()
    first, num = _split(32, wid)

    def body(b, carry):
        off = (first + b) * K
        pltpu.sync_copy(dst_hbm.at[pl.ds(off, K)], dstv)
        pltpu.sync_copy(onesv, hist_sh.at[dstv], add=True)
        return carry

    lax.fori_loop(0, num, body, 0)
    plsc.subcore_barrier()
    r0 = sid * ROWS_PER_TILE
    pltpu.sync_copy(hist_sh.at[pl.ds(r0, ROWS_PER_TILE)],
                    out_hbm.at[pl.ds(cid * NP + r0, ROWS_PER_TILE)])


def _make_scatter(C):
    CPC = C // 2

    @functools.partial(
        pl.kernel,
        out_type=jax.ShapeDtypeStruct((C * NP, F), jnp.float32),
        mesh=_MESH,
        scratch_types=[
            pltpu.VMEM((K,), jnp.int32),
            pltpu.VMEM((K,), jnp.int32),
            pltpu.VMEM((K, F), jnp.float32),
            pltpu.VMEM_SHARED((NP, F), jnp.float32),
            pltpu.SemaphoreType.DMA,
        ],
    )
    def _scatter(h_hbm, srcadj_hbm, dst_hbm, zeros_hbm, out_hbm,
                 srcv, dstv, rows, acc_sh, sem):
        cid = lax.axis_index("c")
        sid = lax.axis_index("s")
        first, num = _split(16, sid)
        r0 = sid * ROWS_PER_TILE
        for cc in range(CPC):
            c = cid * CPC + cc
            pltpu.sync_copy(zeros_hbm, acc_sh.at[pl.ds(r0, ROWS_PER_TILE)])
            plsc.subcore_barrier()

            def body(b, carry):
                eoff = (first + b) * K
                pltpu.sync_copy(srcadj_hbm.at[pl.ds(c * E + eoff, K)], srcv)
                pltpu.sync_copy(dst_hbm.at[pl.ds(eoff, K)], dstv)
                pltpu.async_copy(h_hbm.at[srcv], rows, sem).wait()
                pltpu.sync_copy(rows, acc_sh.at[dstv], add=True)
                return carry

            lax.fori_loop(0, num, body, 0)
            plsc.subcore_barrier()
            pltpu.sync_copy(acc_sh.at[pl.ds(r0, ROWS_PER_TILE)],
                            out_hbm.at[pl.ds(c * NP + r0, ROWS_PER_TILE)])
            plsc.subcore_barrier()

    return _scatter


_scatter4 = _make_scatter(4)
_scatter2 = _make_scatter(2)


def _m1_body(x_ref, w_ref, dinv_ref, o_ref):
    xs = x_ref[...] * dinv_ref[...]
    o_ref[...] = jnp.dot(xs, w_ref[...], preferred_element_type=jnp.float32)


def _m1(x, W1, dinv2d):
    CH = D_HID // F
    return pl.pallas_call(
        _m1_body,
        grid=(CH, NBLK),
        in_specs=[
            pl.BlockSpec((BM, D_IN), lambda c, i: (i, 0)),
            pl.BlockSpec((D_IN, F), lambda c, i: (0, c)),
            pl.BlockSpec((BM, 1), lambda c, i: (i, 0)),
        ],
        out_specs=pl.BlockSpec((BM, F), lambda c, i: (c * NBLK + i, 0)),
        out_shape=jax.ShapeDtypeStruct((CH * NP, F), jnp.float32),
    )(x, W1, dinv2d)


def _m2_body(acc_ref, h_ref, dinv_ref, b_ref, w_ref, o_ref):
    k = pl.program_id(1)
    dinv = dinv_ref[...]
    z = jax.nn.relu(dinv * (acc_ref[...] + h_ref[...]) + b_ref[0])
    p = jnp.dot(dinv * z, w_ref[...], preferred_element_type=jnp.float32)

    @pl.when(k == 0)
    def _():
        o_ref[...] = p

    @pl.when(k > 0)
    def _():
        o_ref[...] += p


def _m2(acc1, h1s, dinv2d, b1r, W2):
    KC = D_HID // F
    return pl.pallas_call(
        _m2_body,
        grid=(NBLK, KC),
        in_specs=[
            pl.BlockSpec((BM, F), lambda i, k: (k * NBLK + i, 0)),
            pl.BlockSpec((BM, F), lambda i, k: (k * NBLK + i, 0)),
            pl.BlockSpec((BM, 1), lambda i, k: (i, 0)),
            pl.BlockSpec((1, 1, F), lambda i, k: (k, 0, 0)),
            pl.BlockSpec((F, D_OUT), lambda i, k: (k, 0)),
        ],
        out_specs=pl.BlockSpec((BM, D_OUT), lambda i, k: (i, 0)),
        out_shape=jax.ShapeDtypeStruct((NP, D_OUT), jnp.float32),
    )(acc1, h1s, dinv2d, b1r, W2)


def _m3_body(acc_ref, h_ref, dinv_ref, b_ref, o_ref):
    o_ref[...] = dinv_ref[...] * (acc_ref[...] + h_ref[...]) + b_ref[0]


def _m3(acc2, h2c, dinv2d, b2r):
    CH = D_OUT // F
    return pl.pallas_call(
        _m3_body,
        grid=(NBLK, CH),
        in_specs=[
            pl.BlockSpec((BM, F), lambda i, c: (c * NBLK + i, 0)),
            pl.BlockSpec((BM, F), lambda i, c: (c * NBLK + i, 0)),
            pl.BlockSpec((BM, 1), lambda i, c: (i, 0)),
            pl.BlockSpec((1, 1, F), lambda i, c: (c, 0, 0)),
        ],
        out_specs=pl.BlockSpec((BM, F), lambda i, c: (i, c)),
        out_shape=jax.ShapeDtypeStruct((NP, D_OUT), jnp.float32),
    )(acc2, h2c, dinv2d, b2r)


def kernel(x_seq, edge_index_seq, W1, b1, W2, b2):
    x = jnp.pad(x_seq[-1], ((0, NP - N), (0, 0)))
    src = edge_index_seq[-1, 0]
    dst = edge_index_seq[-1, 1]

    onesF = jnp.ones((K, F), jnp.float32)
    zerosF = jnp.zeros((ROWS_PER_TILE, F), jnp.float32)

    part = _hist(dst, onesF, zerosF)
    cnt = part[:NP, 0] + part[NP:, 0]
    dinv = lax.rsqrt(cnt + 1.0)
    dinv2d = dinv[:, None]

    srcadj4 = (src[None, :] + (jnp.arange(4, dtype=jnp.int32) * NP)[:, None]
               ).reshape(-1)

    h1s = _m1(x, W1, dinv2d)
    acc1 = _scatter4(h1s, srcadj4, dst, zerosF)
    h2s = _m2(acc1, h1s, dinv2d, b1.reshape(4, 1, F), W2)
    h2c = h2s.reshape(NP, 2, F).transpose(1, 0, 2).reshape(2 * NP, F)
    acc2 = _scatter2(h2c, srcadj4[: 2 * E], dst, zerosF)
    return _m3(acc2, h2c, dinv2d, b2.reshape(2, 1, F))[:N]

# --- scband reference (transcript-rebuilt; emitter-appended) ---
"""Pipeline reference for scband-temporal-gnn-41042707481230 (READ-ONLY COPY).

The authoritative reference and input builder live on the scoring server;
editing this copy changes nothing except your own understanding.
"""

import jax, jax.numpy as jnp
import numpy as np

N = 10000
E = 160000
T = 4
D_IN = 256
D_HID = 512
D_OUT = 256


def setup_inputs(seed: int = 0) -> dict:
    key = jax.random.key(seed)
    k1, k2, k3, k4 = jax.random.split(key, 4)
    x_seq = jax.random.normal(k1, (T, N, D_IN), dtype=jnp.float32)
    edge_index_seq = jax.random.randint(k2, (T, 2, E), 0, N, dtype=jnp.int32)
    W1 = jax.random.normal(k3, (D_IN, D_HID), dtype=jnp.float32) * (1.0 / np.sqrt(D_IN))
    b1 = jnp.zeros((D_HID,), dtype=jnp.float32)
    W2 = jax.random.normal(k4, (D_HID, D_OUT), dtype=jnp.float32) * (1.0 / np.sqrt(D_HID))
    b2 = jnp.zeros((D_OUT,), dtype=jnp.float32)
    return {"x_seq": x_seq, "edge_index_seq": edge_index_seq, "W1": W1, "b1": b1, "W2": W2, "b2": b2}


def gcn_conv(x, edge_index, W, b):
    # PyG-style GCNConv: add self-loops, symmetric normalization, sum-aggregate.
    n = x.shape[0]
    src = edge_index[0]
    dst = edge_index[1]
    loop = jnp.arange(n, dtype=src.dtype)
    src = jnp.concatenate([src, loop])
    dst = jnp.concatenate([dst, loop])
    deg = jnp.zeros((n,), dtype=x.dtype).at[dst].add(1.0)
    dinv = jnp.where(deg > 0, 1.0 / jnp.sqrt(deg), 0.0)
    norm = dinv[src] * dinv[dst]
    h = x @ W
    msg = h[src] * norm[:, None]
    out = jnp.zeros((n, W.shape[1]), dtype=x.dtype).at[dst].add(msg)
    return out + b


def reference(x_seq, edge_index_seq, W1, b1, W2, b2):
    x = x_seq[-1]
    edge_index = edge_index_seq[-1]
    h = jax.nn.relu(gcn_conv(x, edge_index, W1, b1))
    out = gcn_conv(h, edge_index, W2, b2)
    return out

if __name__ == "__main__":
    import jax
    _d = setup_inputs()
    print(jax.jit(kernel)(*tuple(_d.values())))

</pallas_src>

<mosaic_0001>
#map = affine_map<(d0, d1) -> (0, 0)>
#map1 = affine_map<(d0, d1) -> (0)>
module attributes {stable_mosaic.version = 14 : i64} {
  func.func @_scatter(%arg0: i32, %arg1: i32, %arg2: memref<40960x128xf32, #tpu.memory_space<hbm>>, %arg3: memref<640000xi32, #tpu.memory_space<hbm>>, %arg4: memref<160000xi32, #tpu.memory_space<hbm>>, %arg5: memref<640x128xf32, #tpu.memory_space<hbm>>, %arg6: memref<40960x128xf32, #tpu.memory_space<hbm>>, %arg7: memref<128xi32, #tpu.memory_space<vmem>>, %arg8: memref<128xi32, #tpu.memory_space<vmem>>, %arg9: memref<128x128xf32, #tpu.memory_space<vmem>>, %arg10: memref<10240x128xf32, #tpu.memory_space<vmem_shared>>, %arg11: memref<!tpu.dma_semaphore, #tpu.memory_space<semaphore_mem>>) attributes {dimension_semantics = [#tpu.dimension_semantics<core_parallel>, #tpu.dimension_semantics<subcore_parallel>], iteration_bounds = array<i64: 2, 16>, scalar_prefetch = 0 : i64, scratch_operands = 5 : i64, tpu.core_type = #tpu.core_type<sc_vector_subcore>, window_params = [{transform_indices = #map}, {transform_indices = #map1}, {transform_indices = #map1}, {transform_indices = #map}, {transform_indices = #map}]} {
    %mul3A = arith.constant 78 : i32
    %mul3A_0 = arith.muli %arg1, %mul3A : i32
    %min3A = arith.constant 2 : i32
    %min3A_1 = arith.minsi %arg1, %min3A : i32
    %add3A = arith.addi %mul3A_0, %min3A_1 : i32
    %lt3A = arith.constant 2 : i32
    %lt3A_2 = arith.cmpi slt, %arg1, %lt3A : i32
    %jit3A = arith.constant 1 : i32
    %jit3A_3 = arith.constant 0 : i32
    %select_n3A = arith.select %lt3A_2, %jit3A, %jit3A_3 : i32
    %add3A_4 = arith.constant 78 : i32
    %add3A_5 = arith.addi %add3A_4, %select_n3A : i32
    %mul3A_6 = arith.constant 640 : i32
    %mul3A_7 = arith.muli %arg1, %mul3A_6 : i32
    %mul3A_8 = arith.constant 2 : i32
    %mul3A_9 = arith.muli %arg0, %mul3A_8 : i32
    %add3A_10 = arith.constant 0 : i32
    %add3A_11 = arith.addi %mul3A_9, %add3A_10 : i32
    "tpu.region"() ({
      %run_scoped3A = tpu.sem_alloc : memref<!tpu.dma_semaphore, #tpu.memory_space<semaphore_mem>>
      %dma_start3A = arith.constant 0 : i32
      %dma_start3A_46 = tpu.memref_slice %arg10[%mul3A_7, %dma_start3A] : memref<10240x128xf32, #tpu.memory_space<vmem_shared>> -> memref<640x128xf32, #tpu.memory_space<vmem_shared>>
      tpu.enqueue_dma source(%arg5 : memref<640x128xf32, #tpu.memory_space<hbm>>) target(%dma_start3A_46 : memref<640x128xf32, #tpu.memory_space<vmem_shared>>) target_semaphore(%run_scoped3A : memref<!tpu.dma_semaphore, #tpu.memory_space<semaphore_mem>>)
      %dma_wait3A = arith.constant 0 : i32
      %dma_wait3A_47 = tpu.memref_slice %arg10[%mul3A_7, %dma_wait3A] : memref<10240x128xf32, #tpu.memory_space<vmem_shared>> -> memref<640x128xf32, #tpu.memory_space<vmem_shared>>
      tpu.wait_dma2 semaphore(%run_scoped3A : memref<!tpu.dma_semaphore, #tpu.memory_space<semaphore_mem>>) src(%arg5 : memref<640x128xf32, #tpu.memory_space<hbm>>) dst(%dma_wait3A_47 : memref<640x128xf32, #tpu.memory_space<vmem_shared>>)
      tpu.yield
    }) : () -> ()
    %barrier3A = arith.constant 0 : index
    tpu.barrier barrier_id(%barrier3A)
    %while3A = arith.constant 0 : i32
    %while3A_12 = arith.constant 0 : i32
    %while3A_13 = arith.subi %add3A_5, %while3A_12 : i32
    %while3A_14 = arith.addi %while3A_12, %while3A_13 : i32
    %while3A_15 = arith.constant 1 : i32
    %while3A_16 = arith.divsi %while3A_13, %while3A_15 : i32
    %while3A_17 = arith.muli %while3A_16, %while3A_15 : i32
    %while3A_18 = arith.addi %while3A_12, %while3A_17 : i32
    %while3A_19 = arith.constant 1 : i32
    scf.for %while3A_46 = %while3A_12 to %while3A_18 step %while3A_19  : i32 {
      %add3A_47 = arith.addi %add3A, %while3A_46 : i32
      %mul3A_48 = arith.constant 128 : i32
      %mul3A_49 = arith.muli %add3A_47, %mul3A_48 : i32
      %mul3A_50 = arith.constant 160000 : i32
      %mul3A_51 = arith.muli %add3A_11, %mul3A_50 : i32
      %add3A_52 = arith.addi %mul3A_51, %mul3A_49 : i32
      "tpu.region"() ({
        %run_scoped3A = tpu.sem_alloc : memref<!tpu.dma_semaphore, #tpu.memory_space<semaphore_mem>>
        %dma_start3A_57 = tpu.memref_slice %arg3[%add3A_52] : memref<640000xi32, #tpu.memory_space<hbm>> -> memref<128xi32, #tpu.memory_space<hbm>>
        %dma_start3A_58 = tpu.memref_slice %arg3[%add3A_52] : memref<640000xi32, #tpu.memory_space<hbm>> -> memref<128xi32, #tpu.memory_space<hbm>>
        tpu.enqueue_dma source(%dma_start3A_58 : memref<128xi32, #tpu.memory_space<hbm>>) target(%arg7 : memref<128xi32, #tpu.memory_space<vmem>>) target_semaphore(%run_scoped3A : memref<!tpu.dma_semaphore, #tpu.memory_space<semaphore_mem>>)
        %dma_wait3A_59 = tpu.memref_slice %arg3[%add3A_52] : memref<640000xi32, #tpu.memory_space<hbm>> -> memref<128xi32, #tpu.memory_space<hbm>>
        %dma_wait3A_60 = tpu.memref_slice %arg3[%add3A_52] : memref<640000xi32, #tpu.memory_space<hbm>> -> memref<128xi32, #tpu.memory_space<hbm>>
        tpu.wait_dma2 semaphore(%run_scoped3A : memref<!tpu.dma_semaphore, #tpu.memory_space<semaphore_mem>>) src(%dma_wait3A_60 : memref<128xi32, #tpu.memory_space<hbm>>) dst(%arg7 : memref<128xi32, #tpu.memory_space<vmem>>)
        tpu.yield
      }) : () -> ()
      "tpu.region"() ({
        %run_scoped3A = tpu.sem_alloc : memref<!tpu.dma_semaphore, #tpu.memory_space<semaphore_mem>>
        %dma_start3A_57 = tpu.memref_slice %arg4[%mul3A_49] : memref<160000xi32, #tpu.memory_space<hbm>> -> memref<128xi32, #tpu.memory_space<hbm>>
        %dma_start3A_58 = tpu.memref_slice %arg4[%mul3A_49] : memref<160000xi32, #tpu.memory_space<hbm>> -> memref<128xi32, #tpu.memory_space<hbm>>
        tpu.enqueue_dma source(%dma_start3A_58 : memref<128xi32, #tpu.memory_space<hbm>>) target(%arg8 : memref<128xi32, #tpu.memory_space<vmem>>) target_semaphore(%run_scoped3A : memref<!tpu.dma_semaphore, #tpu.memory_space<semaphore_mem>>)
        %dma_wait3A_59 = tpu.memref_slice %arg4[%mul3A_49] : memref<160000xi32, #tpu.memory_space<hbm>> -> memref<128xi32, #tpu.memory_space<hbm>>
        %dma_wait3A_60 = tpu.memref_slice %arg4[%mul3A_49] : memref<160000xi32, #tpu.memory_space<hbm>> -> memref<128xi32, #tpu.memory_space<hbm>>
        tpu.wait_dma2 semaphore(%run_scoped3A : memref<!tpu.dma_semaphore, #tpu.memory_space<semaphore_mem>>) src(%dma_wait3A_60 : memref<128xi32, #tpu.memory_space<hbm>>) dst(%arg8 : memref<128xi32, #tpu.memory_space<vmem>>)
        tpu.yield
      }) : () -> ()
      %dma_start3A = arith.constant 0 : i32
      %dma_start3A_53 = arith.constant 0 : i32
      %dma_start3A_54 = tpu.memref_slice %arg2[%dma_start3A, %dma_start3A_53] : memref<40960x128xf32, #tpu.memory_space<hbm>> -> memref<40960x128xf32, #tpu.memory_space<hbm>>
      tpu.enqueue_indirect_dma source(%dma_start3A_54 : memref<40960x128xf32, #tpu.memory_space<hbm>>) target(%arg9 : memref<128x128xf32, #tpu.memory_space<vmem>>) offsets(%arg7 : memref<128xi32, #tpu.memory_space<vmem>>) semaphore(%arg11 : memref<!tpu.dma_semaphore, #tpu.memory_space<semaphore_mem>>)
      %dma_wait3A = arith.constant 0 : i32
      %dma_wait3A_55 = arith.constant 0 : i32
      %dma_wait3A_56 = tpu.memref_slice %arg2[%dma_wait3A, %dma_wait3A_55] : memref<40960x128xf32, #tpu.memory_space<hbm>> -> memref<40960x128xf32, #tpu.memory_space<hbm>>
      tpu.wait_indirect_dma semaphore(%arg11 : memref<!tpu.dma_semaphore, #tpu.memory_space<semaphore_mem>>) src(%dma_wait3A_56 : memref<40960x128xf32, #tpu.memory_space<hbm>>) dst(%arg9 : memref<128x128xf32, #tpu.memory_space<vmem>>)
      "tpu.region"() ({
        %run_scoped3A = tpu.sem_alloc : memref<!tpu.dma_semaphore, #tpu.memory_space<semaphore_mem>>
        %dma_start3A_57 = arith.constant 0 : i32
        %dma_start3A_58 = arith.constant 0 : i32
        %dma_start3A_59 = tpu.memref_slice %arg10[%dma_start3A_57, %dma_start3A_58] : memref<10240x128xf32, #tpu.memory_space<vmem_shared>> -> memref<10240x128xf32, #tpu.memory_space<vmem_shared>>
        tpu.enqueue_indirect_dma source(%arg9 : memref<128x128xf32, #tpu.memory_space<vmem>>) target(%dma_start3A_59 : memref<10240x128xf32, #tpu.memory_space<vmem_shared>>) offsets(%arg8 : memref<128xi32, #tpu.memory_space<vmem>>) semaphore(%run_scoped3A : memref<!tpu.dma_semaphore, #tpu.memory_space<semaphore_mem>>) {add = true}
        %dma_wait3A_60 = arith.constant 0 : i32
        %dma_wait3A_61 = arith.constant 0 : i32
        %dma_wait3A_62 = tpu.memref_slice %arg10[%dma_wait3A_60, %dma_wait3A_61] : memref<10240x128xf32, #tpu.memory_space<vmem_shared>> -> memref<10240x128xf32, #tpu.memory_space<vmem_shared>>
        tpu.wait_indirect_dma semaphore(%run_scoped3A : memref<!tpu.dma_semaphore, #tpu.memory_space<semaphore_mem>>) src(%arg9 : memref<128x128xf32, #tpu.memory_space<vmem>>) dst(%dma_wait3A_62 : memref<10240x128xf32, #tpu.memory_space<vmem_shared>>)
        tpu.yield
      }) : () -> ()
    }
    %while3A_20 = arith.constant 1 : i32
    scf.for %while3A_46 = %while3A_18 to %while3A_14 step %while3A_20  : i32 {
      %add3A_47 = arith.addi %add3A, %while3A_46 : i32
      %mul3A_48 = arith.constant 128 : i32
      %mul3A_49 = arith.muli %add3A_47, %mul3A_48 : i32
      %mul3A_50 = arith.constant 160000 : i32
      %mul3A_51 = arith.muli %add3A_11, %mul3A_50 : i32
      %add3A_52 = arith.addi %mul3A_51, %mul3A_49 : i32
      "tpu.region"() ({
        %run_scoped3A = tpu.sem_alloc : memref<!tpu.dma_semaphore, #tpu.memory_space<semaphore_mem>>
        %dma_start3A_57 = tpu.memref_slice %arg3[%add3A_52] : memref<640000xi32, #tpu.memory_space<hbm>> -> memref<128xi32, #tpu.memory_space<hbm>>
        %dma_start3A_58 = tpu.memref_slice %arg3[%add3A_52] : memref<640000xi32, #tpu.memory_space<hbm>> -> memref<128xi32, #tpu.memory_space<hbm>>
        tpu.enqueue_dma source(%dma_start3A_58 : memref<128xi32, #tpu.memory_space<hbm>>) target(%arg7 : memref<128xi32, #tpu.memory_space<vmem>>) target_semaphore(%run_scoped3A : memref<!tpu.dma_semaphore, #tpu.memory_space<semaphore_mem>>)
        %dma_wait3A_59 = tpu.memref_slice %arg3[%add3A_52] : memref<640000xi32, #tpu.memory_space<hbm>> -> memref<128xi32, #tpu.memory_space<hbm>>
        %dma_wait3A_60 = tpu.memref_slice %arg3[%add3A_52] : memref<640000xi32, #tpu.memory_space<hbm>> -> memref<128xi32, #tpu.memory_space<hbm>>
        tpu.wait_dma2 semaphore(%run_scoped3A : memref<!tpu.dma_semaphore, #tpu.memory_space<semaphore_mem>>) src(%dma_wait3A_60 : memref<128xi32, #tpu.memory_space<hbm>>) dst(%arg7 : memref<128xi32, #tpu.memory_space<vmem>>)
        tpu.yield
      }) : () -> ()
      "tpu.region"() ({
        %run_scoped3A = tpu.sem_alloc : memref<!tpu.dma_semaphore, #tpu.memory_space<semaphore_mem>>
        %dma_start3A_57 = tpu.memref_slice %arg4[%mul3A_49] : memref<160000xi32, #tpu.memory_space<hbm>> -> memref<128xi32, #tpu.memory_space<hbm>>
        %dma_start3A_58 = tpu.memref_slice %arg4[%mul3A_49] : memref<160000xi32, #tpu.memory_space<hbm>> -> memref<128xi32, #tpu.memory_space<hbm>>
        tpu.enqueue_dma source(%dma_start3A_58 : memref<128xi32, #tpu.memory_space<hbm>>) target(%arg8 : memref<128xi32, #tpu.memory_space<vmem>>) target_semaphore(%run_scoped3A : memref<!tpu.dma_semaphore, #tpu.memory_space<semaphore_mem>>)
        %dma_wait3A_59 = tpu.memref_slice %arg4[%mul3A_49] : memref<160000xi32, #tpu.memory_space<hbm>> -> memref<128xi32, #tpu.memory_space<hbm>>
        %dma_wait3A_60 = tpu.memref_slice %arg4[%mul3A_49] : memref<160000xi32, #tpu.memory_space<hbm>> -> memref<128xi32, #tpu.memory_space<hbm>>
        tpu.wait_dma2 semaphore(%run_scoped3A : memref<!tpu.dma_semaphore, #tpu.memory_space<semaphore_mem>>) src(%dma_wait3A_60 : memref<128xi32, #tpu.memory_space<hbm>>) dst(%arg8 : memref<128xi32, #tpu.memory_space<vmem>>)
        tpu.yield
      }) : () -> ()
      %dma_start3A = arith.constant 0 : i32
      %dma_start3A_53 = arith.constant 0 : i32
      %dma_start3A_54 = tpu.memref_slice %arg2[%dma_start3A, %dma_start3A_53] : memref<40960x128xf32, #tpu.memory_space<hbm>> -> memref<40960x128xf32, #tpu.memory_space<hbm>>
      tpu.enqueue_indirect_dma source(%dma_start3A_54 : memref<40960x128xf32, #tpu.memory_space<hbm>>) target(%arg9 : memref<128x128xf32, #tpu.memory_space<vmem>>) offsets(%arg7 : memref<128xi32, #tpu.memory_space<vmem>>) semaphore(%arg11 : memref<!tpu.dma_semaphore, #tpu.memory_space<semaphore_mem>>)
      %dma_wait3A = arith.constant 0 : i32
      %dma_wait3A_55 = arith.constant 0 : i32
      %dma_wait3A_56 = tpu.memref_slice %arg2[%dma_wait3A, %dma_wait3A_55] : memref<40960x128xf32, #tpu.memory_space<hbm>> -> memref<40960x128xf32, #tpu.memory_space<hbm>>
      tpu.wait_indirect_dma semaphore(%arg11 : memref<!tpu.dma_semaphore, #tpu.memory_space<semaphore_mem>>) src(%dma_wait3A_56 : memref<40960x128xf32, #tpu.memory_space<hbm>>) dst(%arg9 : memref<128x128xf32, #tpu.memory_space<vmem>>)
      "tpu.region"() ({
        %run_scoped3A = tpu.sem_alloc : memref<!tpu.dma_semaphore, #tpu.memory_space<semaphore_mem>>
        %dma_start3A_57 = arith.constant 0 : i32
        %dma_start3A_58 = arith.constant 0 : i32
        %dma_start3A_59 = tpu.memref_slice %arg10[%dma_start3A_57, %dma_start3A_58] : memref<10240x128xf32, #tpu.memory_space<vmem_shared>> -> memref<10240x128xf32, #tpu.memory_space<vmem_shared>>
        tpu.enqueue_indirect_dma source(%arg9 : memref<128x128xf32, #tpu.memory_space<vmem>>) target(%dma_start3A_59 : memref<10240x128xf32, #tpu.memory_space<vmem_shared>>) offsets(%arg8 : memref<128xi32, #tpu.memory_space<vmem>>) semaphore(%run_scoped3A : memref<!tpu.dma_semaphore, #tpu.memory_space<semaphore_mem>>) {add = true}
        %dma_wait3A_60 = arith.constant 0 : i32
        %dma_wait3A_61 = arith.constant 0 : i32
        %dma_wait3A_62 = tpu.memref_slice %arg10[%dma_wait3A_60, %dma_wait3A_61] : memref<10240x128xf32, #tpu.memory_space<vmem_shared>> -> memref<10240x128xf32, #tpu.memory_space<vmem_shared>>
        tpu.wait_indirect_dma semaphore(%run_scoped3A : memref<!tpu.dma_semaphore, #tpu.memory_space<semaphore_mem>>) src(%arg9 : memref<128x128xf32, #tpu.memory_space<vmem>>) dst(%dma_wait3A_62 : memref<10240x128xf32, #tpu.memory_space<vmem_shared>>)
        tpu.yield
      }) : () -> ()
    }
    %barrier3A_21 = arith.constant 0 : index
    tpu.barrier barrier_id(%barrier3A_21)
    %mul3A_22 = arith.constant 10240 : i32
    %mul3A_23 = arith.muli %add3A_11, %mul3A_22 : i32
    %add3A_24 = arith.addi %mul3A_23, %mul3A_7 : i32
    "tpu.region"() ({
      %run_scoped3A = tpu.sem_alloc : memref<!tpu.dma_semaphore, #tpu.memory_space<semaphore_mem>>
      %dma_start3A = arith.constant 0 : i32
      %dma_start3A_46 = tpu.memref_slice %arg6[%add3A_24, %dma_start3A] : memref<40960x128xf32, #tpu.memory_space<hbm>> -> memref<640x128xf32, #tpu.memory_space<hbm>>
      %dma_start3A_47 = arith.constant 0 : i32
      %dma_start3A_48 = tpu.memref_slice %arg10[%mul3A_7, %dma_start3A_47] : memref<10240x128xf32, #tpu.memory_space<vmem_shared>> -> memref<640x128xf32, #tpu.memory_space<vmem_shared>>
      tpu.enqueue_dma source(%dma_start3A_48 : memref<640x128xf32, #tpu.memory_space<vmem_shared>>) target(%dma_start3A_46 : memref<640x128xf32, #tpu.memory_space<hbm>>) target_semaphore(%run_scoped3A : memref<!tpu.dma_semaphore, #tpu.memory_space<semaphore_mem>>)
      %dma_wait3A = arith.constant 0 : i32
      %dma_wait3A_49 = tpu.memref_slice %arg6[%add3A_24, %dma_wait3A] : memref<40960x128xf32, #tpu.memory_space<hbm>> -> memref<640x128xf32, #tpu.memory_space<hbm>>
      %dma_wait3A_50 = arith.constant 0 : i32
      %dma_wait3A_51 = tpu.memref_slice %arg10[%mul3A_7, %dma_wait3A_50] : memref<10240x128xf32, #tpu.memory_space<vmem_shared>> -> memref<640x128xf32, #tpu.memory_space<vmem_shared>>
      tpu.wait_dma2 semaphore(%run_scoped3A : memref<!tpu.dma_semaphore, #tpu.memory_space<semaphore_mem>>) src(%dma_wait3A_51 : memref<640x128xf32, #tpu.memory_space<vmem_shared>>) dst(%dma_wait3A_49 : memref<640x128xf32, #tpu.memory_space<hbm>>)
      tpu.yield
    }) : () -> ()
    %barrier3A_25 = arith.constant 0 : index
    tpu.barrier barrier_id(%barrier3A_25)
    %mul3A_26 = arith.constant 2 : i32
    %mul3A_27 = arith.muli %arg0, %mul3A_26 : i32
    %add3A_28 = arith.constant 1 : i32
    %add3A_29 = arith.addi %mul3A_27, %add3A_28 : i32
    "tpu.region"() ({
      %run_scoped3A = tpu.sem_alloc : memref<!tpu.dma_semaphore, #tpu.memory_space<semaphore_mem>>
      %dma_start3A = arith.constant 0 : i32
      %dma_start3A_46 = tpu.memref_slice %arg10[%mul3A_7, %dma_start3A] : memref<10240x128xf32, #tpu.memory_space<vmem_shared>> -> memref<640x128xf32, #tpu.memory_space<vmem_shared>>
      tpu.enqueue_dma source(%arg5 : memref<640x128xf32, #tpu.memory_space<hbm>>) target(%dma_start3A_46 : memref<640x128xf32, #tpu.memory_space<vmem_shared>>) target_semaphore(%run_scoped3A : memref<!tpu.dma_semaphore, #tpu.memory_space<semaphore_mem>>)
      %dma_wait3A = arith.constant 0 : i32
      %dma_wait3A_47 = tpu.memref_slice %arg10[%mul3A_7, %dma_wait3A] : memref<10240x128xf32, #tpu.memory_space<vmem_shared>> -> memref<640x128xf32, #tpu.memory_space<vmem_shared>>
      tpu.wait_dma2 semaphore(%run_scoped3A : memref<!tpu.dma_semaphore, #tpu.memory_space<semaphore_mem>>) src(%arg5 : memref<640x128xf32, #tpu.memory_space<hbm>>) dst(%dma_wait3A_47 : memref<640x128xf32, #tpu.memory_space<vmem_shared>>)
      tpu.yield
    }) : () -> ()
    %barrier3A_30 = arith.constant 0 : index
    tpu.barrier barrier_id(%barrier3A_30)
    %while3A_31 = arith.constant 0 : i32
    %while3A_32 = arith.constant 0 : i32
    %while3A_33 = arith.subi %add3A_5, %while3A_32 : i32
    %while3A_34 = arith.addi %while3A_32, %while3A_33 : i32
    %while3A_35 = arith.constant 1 : i32
    %while3A_36 = arith.divsi %while3A_33, %while3A_35 : i32
    %while3A_37 = arith.muli %while3A_36, %while3A_35 : i32
    %while3A_38 = arith.addi %while3A_32, %while3A_37 : i32
    %while3A_39 = arith.constant 1 : i32
    scf.for %while3A_46 = %while3A_32 to %while3A_38 step %while3A_39  : i32 {
      %add3A_47 = arith.addi %add3A, %while3A_46 : i32
      %mul3A_48 = arith.constant 128 : i32
      %mul3A_49 = arith.muli %add3A_47, %mul3A_48 : i32
      %mul3A_50 = arith.constant 160000 : i32
      %mul3A_51 = arith.muli %add3A_29, %mul3A_50 : i32
      %add3A_52 = arith.addi %mul3A_51, %mul3A_49 : i32
      "tpu.region"() ({
        %run_scoped3A = tpu.sem_alloc : memref<!tpu.dma_semaphore, #tpu.memory_space<semaphore_mem>>
        %dma_start3A_57 = tpu.memref_slice %arg3[%add3A_52] : memref<640000xi32, #tpu.memory_space<hbm>> -> memref<128xi32, #tpu.memory_space<hbm>>
        %dma_start3A_58 = tpu.memref_slice %arg3[%add3A_52] : memref<640000xi32, #tpu.memory_space<hbm>> -> memref<128xi32, #tpu.memory_space<hbm>>
        tpu.enqueue_dma source(%dma_start3A_58 : memref<128xi32, #tpu.memory_space<hbm>>) target(%arg7 : memref<128xi32, #tpu.memory_space<vmem>>) target_semaphore(%run_scoped3A : memref<!tpu.dma_semaphore, #tpu.memory_space<semaphore_mem>>)
        %dma_wait3A_59 = tpu.memref_slice %arg3[%add3A_52] : memref<640000xi32, #tpu.memory_space<hbm>> -> memref<128xi32, #tpu.memory_space<hbm>>
        %dma_wait3A_60 = tpu.memref_slice %arg3[%add3A_52] : memref<640000xi32, #tpu.memory_space<hbm>> -> memref<128xi32, #tpu.memory_space<hbm>>
        tpu.wait_dma2 semaphore(%run_scoped3A : memref<!tpu.dma_semaphore, #tpu.memory_space<semaphore_mem>>) src(%dma_wait3A_60 : memref<128xi32, #tpu.memory_space<hbm>>) dst(%arg7 : memref<128xi32, #tpu.memory_space<vmem>>)
        tpu.yield
      }) : () -> ()
      "tpu.region"() ({
        %run_scoped3A = tpu.sem_alloc : memref<!tpu.dma_semaphore, #tpu.memory_space<semaphore_mem>>
        %dma_start3A_57 = tpu.memref_slice %arg4[%mul3A_49] : memref<160000xi32, #tpu.memory_space<hbm>> -> memref<128xi32, #tpu.memory_space<hbm>>
        %dma_start3A_58 = tpu.memref_slice %arg4[%mul3A_49] : memref<160000xi32, #tpu.memory_space<hbm>> -> memref<128xi32, #tpu.memory_space<hbm>>
        tpu.enqueue_dma source(%dma_start3A_58 : memref<128xi32, #tpu.memory_space<hbm>>) target(%arg8 : memref<128xi32, #tpu.memory_space<vmem>>) target_semaphore(%run_scoped3A : memref<!tpu.dma_semaphore, #tpu.memory_space<semaphore_mem>>)
        %dma_wait3A_59 = tpu.memref_slice %arg4[%mul3A_49] : memref<160000xi32, #tpu.memory_space<hbm>> -> memref<128xi32, #tpu.memory_space<hbm>>
        %dma_wait3A_60 = tpu.memref_slice %arg4[%mul3A_49] : memref<160000xi32, #tpu.memory_space<hbm>> -> memref<128xi32, #tpu.memory_space<hbm>>
        tpu.wait_dma2 semaphore(%run_scoped3A : memref<!tpu.dma_semaphore, #tpu.memory_space<semaphore_mem>>) src(%dma_wait3A_60 : memref<128xi32, #tpu.memory_space<hbm>>) dst(%arg8 : memref<128xi32, #tpu.memory_space<vmem>>)
        tpu.yield
      }) : () -> ()
      %dma_start3A = arith.constant 0 : i32
      %dma_start3A_53 = arith.constant 0 : i32
      %dma_start3A_54 = tpu.memref_slice %arg2[%dma_start3A, %dma_start3A_53] : memref<40960x128xf32, #tpu.memory_space<hbm>> -> memref<40960x128xf32, #tpu.memory_space<hbm>>
      tpu.enqueue_indirect_dma source(%dma_start3A_54 : memref<40960x128xf32, #tpu.memory_space<hbm>>) target(%arg9 : memref<128x128xf32, #tpu.memory_space<vmem>>) offsets(%arg7 : memref<128xi32, #tpu.memory_space<vmem>>) semaphore(%arg11 : memref<!tpu.dma_semaphore, #tpu.memory_space<semaphore_mem>>)
      %dma_wait3A = arith.constant 0 : i32
      %dma_wait3A_55 = arith.constant 0 : i32
      %dma_wait3A_56 = tpu.memref_slice %arg2[%dma_wait3A, %dma_wait3A_55] : memref<40960x128xf32, #tpu.memory_space<hbm>> -> memref<40960x128xf32, #tpu.memory_space<hbm>>
      tpu.wait_indirect_dma semaphore(%arg11 : memref<!tpu.dma_semaphore, #tpu.memory_space<semaphore_mem>>) src(%dma_wait3A_56 : memref<40960x128xf32, #tpu.memory_space<hbm>>) dst(%arg9 : memref<128x128xf32, #tpu.memory_space<vmem>>)
      "tpu.region"() ({
        %run_scoped3A = tpu.sem_alloc : memref<!tpu.dma_semaphore, #tpu.memory_space<semaphore_mem>>
        %dma_start3A_57 = arith.constant 0 : i32
        %dma_start3A_58 = arith.constant 0 : i32
        %dma_start3A_59 = tpu.memref_slice %arg10[%dma_start3A_57, %dma_start3A_58] : memref<10240x128xf32, #tpu.memory_space<vmem_shared>> -> memref<10240x128xf32, #tpu.memory_space<vmem_shared>>
        tpu.enqueue_indirect_dma source(%arg9 : memref<128x128xf32, #tpu.memory_space<vmem>>) target(%dma_start3A_59 : memref<10240x128xf32, #tpu.memory_space<vmem_shared>>) offsets(%arg8 : memref<128xi32, #tpu.memory_space<vmem>>) semaphore(%run_scoped3A : memref<!tpu.dma_semaphore, #tpu.memory_space<semaphore_mem>>) {add = true}
        %dma_wait3A_60 = arith.constant 0 : i32
        %dma_wait3A_61 = arith.constant 0 : i32
        %dma_wait3A_62 = tpu.memref_slice %arg10[%dma_wait3A_60, %dma_wait3A_61] : memref<10240x128xf32, #tpu.memory_space<vmem_shared>> -> memref<10240x128xf32, #tpu.memory_space<vmem_shared>>
        tpu.wait_indirect_dma semaphore(%run_scoped3A : memref<!tpu.dma_semaphore, #tpu.memory_space<semaphore_mem>>) src(%arg9 : memref<128x128xf32, #tpu.memory_space<vmem>>) dst(%dma_wait3A_62 : memref<10240x128xf32, #tpu.memory_space<vmem_shared>>)
        tpu.yield
      }) : () -> ()
    }
    %while3A_40 = arith.constant 1 : i32
    scf.for %while3A_46 = %while3A_38 to %while3A_34 step %while3A_40  : i32 {
      %add3A_47 = arith.addi %add3A, %while3A_46 : i32
      %mul3A_48 = arith.constant 128 : i32
      %mul3A_49 = arith.muli %add3A_47, %mul3A_48 : i32
      %mul3A_50 = arith.constant 160000 : i32
      %mul3A_51 = arith.muli %add3A_29, %mul3A_50 : i32
      %add3A_52 = arith.addi %mul3A_51, %mul3A_49 : i32
      "tpu.region"() ({
        %run_scoped3A = tpu.sem_alloc : memref<!tpu.dma_semaphore, #tpu.memory_space<semaphore_mem>>
        %dma_start3A_57 = tpu.memref_slice %arg3[%add3A_52] : memref<640000xi32, #tpu.memory_space<hbm>> -> memref<128xi32, #tpu.memory_space<hbm>>
        %dma_start3A_58 = tpu.memref_slice %arg3[%add3A_52] : memref<640000xi32, #tpu.memory_space<hbm>> -> memref<128xi32, #tpu.memory_space<hbm>>
        tpu.enqueue_dma source(%dma_start3A_58 : memref<128xi32, #tpu.memory_space<hbm>>) target(%arg7 : memref<128xi32, #tpu.memory_space<vmem>>) target_semaphore(%run_scoped3A : memref<!tpu.dma_semaphore, #tpu.memory_space<semaphore_mem>>)
        %dma_wait3A_59 = tpu.memref_slice %arg3[%add3A_52] : memref<640000xi32, #tpu.memory_space<hbm>> -> memref<128xi32, #tpu.memory_space<hbm>>
        %dma_wait3A_60 = tpu.memref_slice %arg3[%add3A_52] : memref<640000xi32, #tpu.memory_space<hbm>> -> memref<128xi32, #tpu.memory_space<hbm>>
        tpu.wait_dma2 semaphore(%run_scoped3A : memref<!tpu.dma_semaphore, #tpu.memory_space<semaphore_mem>>) src(%dma_wait3A_60 : memref<128xi32, #tpu.memory_space<hbm>>) dst(%arg7 : memref<128xi32, #tpu.memory_space<vmem>>)
        tpu.yield
      }) : () -> ()
      "tpu.region"() ({
        %run_scoped3A = tpu.sem_alloc : memref<!tpu.dma_semaphore, #tpu.memory_space<semaphore_mem>>
        %dma_start3A_57 = tpu.memref_slice %arg4[%mul3A_49] : memref<160000xi32, #tpu.memory_space<hbm>> -> memref<128xi32, #tpu.memory_space<hbm>>
        %dma_start3A_58 = tpu.memref_slice %arg4[%mul3A_49] : memref<160000xi32, #tpu.memory_space<hbm>> -> memref<128xi32, #tpu.memory_space<hbm>>
        tpu.enqueue_dma source(%dma_start3A_58 : memref<128xi32, #tpu.memory_space<hbm>>) target(%arg8 : memref<128xi32, #tpu.memory_space<vmem>>) target_semaphore(%run_scoped3A : memref<!tpu.dma_semaphore, #tpu.memory_space<semaphore_mem>>)
        %dma_wait3A_59 = tpu.memref_slice %arg4[%mul3A_49] : memref<160000xi32, #tpu.memory_space<hbm>> -> memref<128xi32, #tpu.memory_space<hbm>>
        %dma_wait3A_60 = tpu.memref_slice %arg4[%mul3A_49] : memref<160000xi32, #tpu.memory_space<hbm>> -> memref<128xi32, #tpu.memory_space<hbm>>
        tpu.wait_dma2 semaphore(%run_scoped3A : memref<!tpu.dma_semaphore, #tpu.memory_space<semaphore_mem>>) src(%dma_wait3A_60 : memref<128xi32, #tpu.memory_space<hbm>>) dst(%arg8 : memref<128xi32, #tpu.memory_space<vmem>>)
        tpu.yield
      }) : () -> ()
      %dma_start3A = arith.constant 0 : i32
      %dma_start3A_53 = arith.constant 0 : i32
      %dma_start3A_54 = tpu.memref_slice %arg2[%dma_start3A, %dma_start3A_53] : memref<40960x128xf32, #tpu.memory_space<hbm>> -> memref<40960x128xf32, #tpu.memory_space<hbm>>
      tpu.enqueue_indirect_dma source(%dma_start3A_54 : memref<40960x128xf32, #tpu.memory_space<hbm>>) target(%arg9 : memref<128x128xf32, #tpu.memory_space<vmem>>) offsets(%arg7 : memref<128xi32, #tpu.memory_space<vmem>>) semaphore(%arg11 : memref<!tpu.dma_semaphore, #tpu.memory_space<semaphore_mem>>)
      %dma_wait3A = arith.constant 0 : i32
      %dma_wait3A_55 = arith.constant 0 : i32
      %dma_wait3A_56 = tpu.memref_slice %arg2[%dma_wait3A, %dma_wait3A_55] : memref<40960x128xf32, #tpu.memory_space<hbm>> -> memref<40960x128xf32, #tpu.memory_space<hbm>>
      tpu.wait_indirect_dma semaphore(%arg11 : memref<!tpu.dma_semaphore, #tpu.memory_space<semaphore_mem>>) src(%dma_wait3A_56 : memref<40960x128xf32, #tpu.memory_space<hbm>>) dst(%arg9 : memref<128x128xf32, #tpu.memory_space<vmem>>)
      "tpu.region"() ({
        %run_scoped3A = tpu.sem_alloc : memref<!tpu.dma_semaphore, #tpu.memory_space<semaphore_mem>>
        %dma_start3A_57 = arith.constant 0 : i32
        %dma_start3A_58 = arith.constant 0 : i32
        %dma_start3A_59 = tpu.memref_slice %arg10[%dma_start3A_57, %dma_start3A_58] : memref<10240x128xf32, #tpu.memory_space<vmem_shared>> -> memref<10240x128xf32, #tpu.memory_space<vmem_shared>>
        tpu.enqueue_indirect_dma source(%arg9 : memref<128x128xf32, #tpu.memory_space<vmem>>) target(%dma_start3A_59 : memref<10240x128xf32, #tpu.memory_space<vmem_shared>>) offsets(%arg8 : memref<128xi32, #tpu.memory_space<vmem>>) semaphore(%run_scoped3A : memref<!tpu.dma_semaphore, #tpu.memory_space<semaphore_mem>>) {add = true}
        %dma_wait3A_60 = arith.constant 0 : i32
        %dma_wait3A_61 = arith.constant 0 : i32
        %dma_wait3A_62 = tpu.memref_slice %arg10[%dma_wait3A_60, %dma_wait3A_61] : memref<10240x128xf32, #tpu.memory_space<vmem_shared>> -> memref<10240x128xf32, #tpu.memory_space<vmem_shared>>
        tpu.wait_indirect_dma semaphore(%run_scoped3A : memref<!tpu.dma_semaphore, #tpu.memory_space<semaphore_mem>>) src(%arg9 : memref<128x128xf32, #tpu.memory_space<vmem>>) dst(%dma_wait3A_62 : memref<10240x128xf32, #tpu.memory_space<vmem_shared>>)
        tpu.yield
      }) : () -> ()
    }
    %barrier3A_41 = arith.constant 0 : index
    tpu.barrier barrier_id(%barrier3A_41)
    %mul3A_42 = arith.constant 10240 : i32
    %mul3A_43 = arith.muli %add3A_29, %mul3A_42 : i32
    %add3A_44 = arith.addi %mul3A_43, %mul3A_7 : i32
    "tpu.region"() ({
      %run_scoped3A = tpu.sem_alloc : memref<!tpu.dma_semaphore, #tpu.memory_space<semaphore_mem>>
      %dma_start3A = arith.constant 0 : i32
      %dma_start3A_46 = tpu.memref_slice %arg6[%add3A_44, %dma_start3A] : memref<40960x128xf32, #tpu.memory_space<hbm>> -> memref<640x128xf32, #tpu.memory_space<hbm>>
      %dma_start3A_47 = arith.constant 0 : i32
      %dma_start3A_48 = tpu.memref_slice %arg10[%mul3A_7, %dma_start3A_47] : memref<10240x128xf32, #tpu.memory_space<vmem_shared>> -> memref<640x128xf32, #tpu.memory_space<vmem_shared>>
      tpu.enqueue_dma source(%dma_start3A_48 : memref<640x128xf32, #tpu.memory_space<vmem_shared>>) target(%dma_start3A_46 : memref<640x128xf32, #tpu.memory_space<hbm>>) target_semaphore(%run_scoped3A : memref<!tpu.dma_semaphore, #tpu.memory_space<semaphore_mem>>)
      %dma_wait3A = arith.constant 0 : i32
      %dma_wait3A_49 = tpu.memref_slice %arg6[%add3A_44, %dma_wait3A] : memref<40960x128xf32, #tpu.memory_space<hbm>> -> memref<640x128xf32, #tpu.memory_space<hbm>>
      %dma_wait3A_50 = arith.constant 0 : i32
      %dma_wait3A_51 = tpu.memref_slice %arg10[%mul3A_7, %dma_wait3A_50] : memref<10240x128xf32, #tpu.memory_space<vmem_shared>> -> memref<640x128xf32, #tpu.memory_space<vmem_shared>>
      tpu.wait_dma2 semaphore(%run_scoped3A : memref<!tpu.dma_semaphore, #tpu.memory_space<semaphore_mem>>) src(%dma_wait3A_51 : memref<640x128xf32, #tpu.memory_space<vmem_shared>>) dst(%dma_wait3A_49 : memref<640x128xf32, #tpu.memory_space<hbm>>)
      tpu.yield
    }) : () -> ()
    %barrier3A_45 = arith.constant 0 : index
    tpu.barrier barrier_id(%barrier3A_45)
    return
  }
}

#map = affine_map<(d0, d1) -> (0, 0)>
#map1 = affine_map<(d0, d1) -> (0)>
module attributes {stable_mosaic.version = 14 : i64} {
  func.func @_scatter(%arg0: i32, %arg1: i32, %arg2: memref<20480x128xf32, #tpu.memory_space<hbm>>, %arg3: memref<320000xi32, #tpu.memory_space<hbm>>, %arg4: memref<160000xi32, #tpu.memory_space<hbm>>, %arg5: memref<640x128xf32, #tpu.memory_space<hbm>>, %arg6: memref<20480x128xf32, #tpu.memory_space<hbm>>, %arg7: memref<128xi32, #tpu.memory_space<vmem>>, %arg8: memref<128xi32, #tpu.memory_space<vmem>>, %arg9: memref<128x128xf32, #tpu.memory_space<vmem>>, %arg10: memref<10240x128xf32, #tpu.memory_space<vmem_shared>>, %arg11: memref<!tpu.dma_semaphore, #tpu.memory_space<semaphore_mem>>) attributes {dimension_semantics = [#tpu.dimension_semantics<core_parallel>, #tpu.dimension_semantics<subcore_parallel>], iteration_bounds = array<i64: 2, 16>, scalar_prefetch = 0 : i64, scratch_operands = 5 : i64, tpu.core_type = #tpu.core_type<sc_vector_subcore>, window_params = [{transform_indices = #map}, {transform_indices = #map1}, {transform_indices = #map1}, {transform_indices = #map}, {transform_indices = #map}]} {
    %mul3A = arith.constant 78 : i32
    %mul3A_0 = arith.muli %arg1, %mul3A : i32
    %min3A = arith.constant 2 : i32
    %min3A_1 = arith.minsi %arg1, %min3A : i32
    %add3A = arith.addi %mul3A_0, %min3A_1 : i32
    %lt3A = arith.constant 2 : i32
    %lt3A_2 = arith.cmpi slt, %arg1, %lt3A : i32
    %jit3A = arith.constant 1 : i32
    %jit3A_3 = arith.constant 0 : i32
    %select_n3A = arith.select %lt3A_2, %jit3A, %jit3A_3 : i32
    %add3A_4 = arith.constant 78 : i32
    %add3A_5 = arith.addi %add3A_4, %select_n3A : i32
    %mul3A_6 = arith.constant 640 : i32
    %mul3A_7 = arith.muli %arg1, %mul3A_6 : i32
    %mul3A_8 = arith.constant 1 : i32
    %mul3A_9 = arith.muli %arg0, %mul3A_8 : i32
    %add3A_10 = arith.constant 0 : i32
    %add3A_11 = arith.addi %mul3A_9, %add3A_10 : i32
    "tpu.region"() ({
      %run_scoped3A = tpu.sem_alloc : memref<!tpu.dma_semaphore, #tpu.memory_space<semaphore_mem>>
      %dma_start3A = arith.constant 0 : i32
      %dma_start3A_26 = tpu.memref_slice %arg10[%mul3A_7, %dma_start3A] : memref<10240x128xf32, #tpu.memory_space<vmem_shared>> -> memref<640x128xf32, #tpu.memory_space<vmem_shared>>
      tpu.enqueue_dma source(%arg5 : memref<640x128xf32, #tpu.memory_space<hbm>>) target(%dma_start3A_26 : memref<640x128xf32, #tpu.memory_space<vmem_shared>>) target_semaphore(%run_scoped3A : memref<!tpu.dma_semaphore, #tpu.memory_space<semaphore_mem>>)
      %dma_wait3A = arith.constant 0 : i32
      %dma_wait3A_27 = tpu.memref_slice %arg10[%mul3A_7, %dma_wait3A] : memref<10240x128xf32, #tpu.memory_space<vmem_shared>> -> memref<640x128xf32, #tpu.memory_space<vmem_shared>>
      tpu.wait_dma2 semaphore(%run_scoped3A : memref<!tpu.dma_semaphore, #tpu.memory_space<semaphore_mem>>) src(%arg5 : memref<640x128xf32, #tpu.memory_space<hbm>>) dst(%dma_wait3A_27 : memref<640x128xf32, #tpu.memory_space<vmem_shared>>)
      tpu.yield
    }) : () -> ()
    %barrier3A = arith.constant 0 : index
    tpu.barrier barrier_id(%barrier3A)
    %while3A = arith.constant 0 : i32
    %while3A_12 = arith.constant 0 : i32
    %while3A_13 = arith.subi %add3A_5, %while3A_12 : i32
    %while3A_14 = arith.addi %while3A_12, %while3A_13 : i32
    %while3A_15 = arith.constant 1 : i32
    %while3A_16 = arith.divsi %while3A_13, %while3A_15 : i32
    %while3A_17 = arith.muli %while3A_16, %while3A_15 : i32
    %while3A_18 = arith.addi %while3A_12, %while3A_17 : i32
    %while3A_19 = arith.constant 1 : i32
    scf.for %while3A_26 = %while3A_12 to %while3A_18 step %while3A_19  : i32 {
      %add3A_27 = arith.addi %add3A, %while3A_26 : i32
      %mul3A_28 = arith.constant 128 : i32
      %mul3A_29 = arith.muli %add3A_27, %mul3A_28 : i32
      %mul3A_30 = arith.constant 160000 : i32
      %mul3A_31 = arith.muli %add3A_11, %mul3A_30 : i32
      %add3A_32 = arith.addi %mul3A_31, %mul3A_29 : i32
      "tpu.region"() ({
        %run_scoped3A = tpu.sem_alloc : memref<!tpu.dma_semaphore, #tpu.memory_space<semaphore_mem>>
        %dma_start3A_37 = tpu.memref_slice %arg3[%add3A_32] : memref<320000xi32, #tpu.memory_space<hbm>> -> memref<128xi32, #tpu.memory_space<hbm>>
        %dma_start3A_38 = tpu.memref_slice %arg3[%add3A_32] : memref<320000xi32, #tpu.memory_space<hbm>> -> memref<128xi32, #tpu.memory_space<hbm>>
        tpu.enqueue_dma source(%dma_start3A_38 : memref<128xi32, #tpu.memory_space<hbm>>) target(%arg7 : memref<128xi32, #tpu.memory_space<vmem>>) target_semaphore(%run_scoped3A : memref<!tpu.dma_semaphore, #tpu.memory_space<semaphore_mem>>)
        %dma_wait3A_39 = tpu.memref_slice %arg3[%add3A_32] : memref<320000xi32, #tpu.memory_space<hbm>> -> memref<128xi32, #tpu.memory_space<hbm>>
        %dma_wait3A_40 = tpu.memref_slice %arg3[%add3A_32] : memref<320000xi32, #tpu.memory_space<hbm>> -> memref<128xi32, #tpu.memory_space<hbm>>
        tpu.wait_dma2 semaphore(%run_scoped3A : memref<!tpu.dma_semaphore, #tpu.memory_space<semaphore_mem>>) src(%dma_wait3A_40 : memref<128xi32, #tpu.memory_space<hbm>>) dst(%arg7 : memref<128xi32, #tpu.memory_space<vmem>>)
        tpu.yield
      }) : () -> ()
      "tpu.region"() ({
        %run_scoped3A = tpu.sem_alloc : memref<!tpu.dma_semaphore, #tpu.memory_space<semaphore_mem>>
        %dma_start3A_37 = tpu.memref_slice %arg4[%mul3A_29] : memref<160000xi32, #tpu.memory_space<hbm>> -> memref<128xi32, #tpu.memory_space<hbm>>
        %dma_start3A_38 = tpu.memref_slice %arg4[%mul3A_29] : memref<160000xi32, #tpu.memory_space<hbm>> -> memref<128xi32, #tpu.memory_space<hbm>>
        tpu.enqueue_dma source(%dma_start3A_38 : memref<128xi32, #tpu.memory_space<hbm>>) target(%arg8 : memref<128xi32, #tpu.memory_space<vmem>>) target_semaphore(%run_scoped3A : memref<!tpu.dma_semaphore, #tpu.memory_space<semaphore_mem>>)
        %dma_wait3A_39 = tpu.memref_slice %arg4[%mul3A_29] : memref<160000xi32, #tpu.memory_space<hbm>> -> memref<128xi32, #tpu.memory_space<hbm>>
        %dma_wait3A_40 = tpu.memref_slice %arg4[%mul3A_29] : memref<160000xi32, #tpu.memory_space<hbm>> -> memref<128xi32, #tpu.memory_space<hbm>>
        tpu.wait_dma2 semaphore(%run_scoped3A : memref<!tpu.dma_semaphore, #tpu.memory_space<semaphore_mem>>) src(%dma_wait3A_40 : memref<128xi32, #tpu.memory_space<hbm>>) dst(%arg8 : memref<128xi32, #tpu.memory_space<vmem>>)
        tpu.yield
      }) : () -> ()
      %dma_start3A = arith.constant 0 : i32
      %dma_start3A_33 = arith.constant 0 : i32
      %dma_start3A_34 = tpu.memref_slice %arg2[%dma_start3A, %dma_start3A_33] : memref<20480x128xf32, #tpu.memory_space<hbm>> -> memref<20480x128xf32, #tpu.memory_space<hbm>>
      tpu.enqueue_indirect_dma source(%dma_start3A_34 : memref<20480x128xf32, #tpu.memory_space<hbm>>) target(%arg9 : memref<128x128xf32, #tpu.memory_space<vmem>>) offsets(%arg7 : memref<128xi32, #tpu.memory_space<vmem>>) semaphore(%arg11 : memref<!tpu.dma_semaphore, #tpu.memory_space<semaphore_mem>>)
      %dma_wait3A = arith.constant 0 : i32
      %dma_wait3A_35 = arith.constant 0 : i32
      %dma_wait3A_36 = tpu.memref_slice %arg2[%dma_wait3A, %dma_wait3A_35] : memref<20480x128xf32, #tpu.memory_space<hbm>> -> memref<20480x128xf32, #tpu.memory_space<hbm>>
      tpu.wait_indirect_dma semaphore(%arg11 : memref<!tpu.dma_semaphore, #tpu.memory_space<semaphore_mem>>) src(%dma_wait3A_36 : memref<20480x128xf32, #tpu.memory_space<hbm>>) dst(%arg9 : memref<128x128xf32, #tpu.memory_space<vmem>>)
      "tpu.region"() ({
        %run_scoped3A = tpu.sem_alloc : memref<!tpu.dma_semaphore, #tpu.memory_space<semaphore_mem>>
        %dma_start3A_37 = arith.constant 0 : i32
        %dma_start3A_38 = arith.constant 0 : i32
        %dma_start3A_39 = tpu.memref_slice %arg10[%dma_start3A_37, %dma_start3A_38] : memref<10240x128xf32, #tpu.memory_space<vmem_shared>> -> memref<10240x128xf32, #tpu.memory_space<vmem_shared>>
        tpu.enqueue_indirect_dma source(%arg9 : memref<128x128xf32, #tpu.memory_space<vmem>>) target(%dma_start3A_39 : memref<10240x128xf32, #tpu.memory_space<vmem_shared>>) offsets(%arg8 : memref<128xi32, #tpu.memory_space<vmem>>) semaphore(%run_scoped3A : memref<!tpu.dma_semaphore, #tpu.memory_space<semaphore_mem>>) {add = true}
        %dma_wait3A_40 = arith.constant 0 : i32
        %dma_wait3A_41 = arith.constant 0 : i32
        %dma_wait3A_42 = tpu.memref_slice %arg10[%dma_wait3A_40, %dma_wait3A_41] : memref<10240x128xf32, #tpu.memory_space<vmem_shared>> -> memref<10240x128xf32, #tpu.memory_space<vmem_shared>>
        tpu.wait_indirect_dma semaphore(%run_scoped3A : memref<!tpu.dma_semaphore, #tpu.memory_space<semaphore_mem>>) src(%arg9 : memref<128x128xf32, #tpu.memory_space<vmem>>) dst(%dma_wait3A_42 : memref<10240x128xf32, #tpu.memory_space<vmem_shared>>)
        tpu.yield
      }) : () -> ()
    }
    %while3A_20 = arith.constant 1 : i32
    scf.for %while3A_26 = %while3A_18 to %while3A_14 step %while3A_20  : i32 {
      %add3A_27 = arith.addi %add3A, %while3A_26 : i32
      %mul3A_28 = arith.constant 128 : i32
      %mul3A_29 = arith.muli %add3A_27, %mul3A_28 : i32
      %mul3A_30 = arith.constant 160000 : i32
      %mul3A_31 = arith.muli %add3A_11, %mul3A_30 : i32
      %add3A_32 = arith.addi %mul3A_31, %mul3A_29 : i32
      "tpu.region"() ({
        %run_scoped3A = tpu.sem_alloc : memref<!tpu.dma_semaphore, #tpu.memory_space<semaphore_mem>>
        %dma_start3A_37 = tpu.memref_slice %arg3[%add3A_32] : memref<320000xi32, #tpu.memory_space<hbm>> -> memref<128xi32, #tpu.memory_space<hbm>>
        %dma_start3A_38 = tpu.memref_slice %arg3[%add3A_32] : memref<320000xi32, #tpu.memory_space<hbm>> -> memref<128xi32, #tpu.memory_space<hbm>>
        tpu.enqueue_dma source(%dma_start3A_38 : memref<128xi32, #tpu.memory_space<hbm>>) target(%arg7 : memref<128xi32, #tpu.memory_space<vmem>>) target_semaphore(%run_scoped3A : memref<!tpu.dma_semaphore, #tpu.memory_space<semaphore_mem>>)
        %dma_wait3A_39 = tpu.memref_slice %arg3[%add3A_32] : memref<320000xi32, #tpu.memory_space<hbm>> -> memref<128xi32, #tpu.memory_space<hbm>>
        %dma_wait3A_40 = tpu.memref_slice %arg3[%add3A_32] : memref<320000xi32, #tpu.memory_space<hbm>> -> memref<128xi32, #tpu.memory_space<hbm>>
        tpu.wait_dma2 semaphore(%run_scoped3A : memref<!tpu.dma_semaphore, #tpu.memory_space<semaphore_mem>>) src(%dma_wait3A_40 : memref<128xi32, #tpu.memory_space<hbm>>) dst(%arg7 : memref<128xi32, #tpu.memory_space<vmem>>)
        tpu.yield
      }) : () -> ()
      "tpu.region"() ({
        %run_scoped3A = tpu.sem_alloc : memref<!tpu.dma_semaphore, #tpu.memory_space<semaphore_mem>>
        %dma_start3A_37 = tpu.memref_slice %arg4[%mul3A_29] : memref<160000xi32, #tpu.memory_space<hbm>> -> memref<128xi32, #tpu.memory_space<hbm>>
        %dma_start3A_38 = tpu.memref_slice %arg4[%mul3A_29] : memref<160000xi32, #tpu.memory_space<hbm>> -> memref<128xi32, #tpu.memory_space<hbm>>
        tpu.enqueue_dma source(%dma_start3A_38 : memref<128xi32, #tpu.memory_space<hbm>>) target(%arg8 : memref<128xi32, #tpu.memory_space<vmem>>) target_semaphore(%run_scoped3A : memref<!tpu.dma_semaphore, #tpu.memory_space<semaphore_mem>>)
        %dma_wait3A_39 = tpu.memref_slice %arg4[%mul3A_29] : memref<160000xi32, #tpu.memory_space<hbm>> -> memref<128xi32, #tpu.memory_space<hbm>>
        %dma_wait3A_40 = tpu.memref_slice %arg4[%mul3A_29] : memref<160000xi32, #tpu.memory_space<hbm>> -> memref<128xi32, #tpu.memory_space<hbm>>
        tpu.wait_dma2 semaphore(%run_scoped3A : memref<!tpu.dma_semaphore, #tpu.memory_space<semaphore_mem>>) src(%dma_wait3A_40 : memref<128xi32, #tpu.memory_space<hbm>>) dst(%arg8 : memref<128xi32, #tpu.memory_space<vmem>>)
        tpu.yield
      }) : () -> ()
      %dma_start3A = arith.constant 0 : i32
      %dma_start3A_33 = arith.constant 0 : i32
      %dma_start3A_34 = tpu.memref_slice %arg2[%dma_start3A, %dma_start3A_33] : memref<20480x128xf32, #tpu.memory_space<hbm>> -> memref<20480x128xf32, #tpu.memory_space<hbm>>
      tpu.enqueue_indirect_dma source(%dma_start3A_34 : memref<20480x128xf32, #tpu.memory_space<hbm>>) target(%arg9 : memref<128x128xf32, #tpu.memory_space<vmem>>) offsets(%arg7 : memref<128xi32, #tpu.memory_space<vmem>>) semaphore(%arg11 : memref<!tpu.dma_semaphore, #tpu.memory_space<semaphore_mem>>)
      %dma_wait3A = arith.constant 0 : i32
      %dma_wait3A_35 = arith.constant 0 : i32
      %dma_wait3A_36 = tpu.memref_slice %arg2[%dma_wait3A, %dma_wait3A_35] : memref<20480x128xf32, #tpu.memory_space<hbm>> -> memref<20480x128xf32, #tpu.memory_space<hbm>>
      tpu.wait_indirect_dma semaphore(%arg11 : memref<!tpu.dma_semaphore, #tpu.memory_space<semaphore_mem>>) src(%dma_wait3A_36 : memref<20480x128xf32, #tpu.memory_space<hbm>>) dst(%arg9 : memref<128x128xf32, #tpu.memory_space<vmem>>)
      "tpu.region"() ({
        %run_scoped3A = tpu.sem_alloc : memref<!tpu.dma_semaphore, #tpu.memory_space<semaphore_mem>>
        %dma_start3A_37 = arith.constant 0 : i32
        %dma_start3A_38 = arith.constant 0 : i32
        %dma_start3A_39 = tpu.memref_slice %arg10[%dma_start3A_37, %dma_start3A_38] : memref<10240x128xf32, #tpu.memory_space<vmem_shared>> -> memref<10240x128xf32, #tpu.memory_space<vmem_shared>>
        tpu.enqueue_indirect_dma source(%arg9 : memref<128x128xf32, #tpu.memory_space<vmem>>) target(%dma_start3A_39 : memref<10240x128xf32, #tpu.memory_space<vmem_shared>>) offsets(%arg8 : memref<128xi32, #tpu.memory_space<vmem>>) semaphore(%run_scoped3A : memref<!tpu.dma_semaphore, #tpu.memory_space<semaphore_mem>>) {add = true}
        %dma_wait3A_40 = arith.constant 0 : i32
        %dma_wait3A_41 = arith.constant 0 : i32
        %dma_wait3A_42 = tpu.memref_slice %arg10[%dma_wait3A_40, %dma_wait3A_41] : memref<10240x128xf32, #tpu.memory_space<vmem_shared>> -> memref<10240x128xf32, #tpu.memory_space<vmem_shared>>
        tpu.wait_indirect_dma semaphore(%run_scoped3A : memref<!tpu.dma_semaphore, #tpu.memory_space<semaphore_mem>>) src(%arg9 : memref<128x128xf32, #tpu.memory_space<vmem>>) dst(%dma_wait3A_42 : memref<10240x128xf32, #tpu.memory_space<vmem_shared>>)
        tpu.yield
      }) : () -> ()
    }
    %barrier3A_21 = arith.constant 0 : index
    tpu.barrier barrier_id(%barrier3A_21)
    %mul3A_22 = arith.constant 10240 : i32
    %mul3A_23 = arith.muli %add3A_11, %mul3A_22 : i32
    %add3A_24 = arith.addi %mul3A_23, %mul3A_7 : i32
    "tpu.region"() ({
      %run_scoped3A = tpu.sem_alloc : memref<!tpu.dma_semaphore, #tpu.memory_space<semaphore_mem>>
      %dma_start3A = arith.constant 0 : i32
      %dma_start3A_26 = tpu.memref_slice %arg6[%add3A_24, %dma_start3A] : memref<20480x128xf32, #tpu.memory_space<hbm>> -> memref<640x128xf32, #tpu.memory_space<hbm>>
      %dma_start3A_27 = arith.constant 0 : i32
      %dma_start3A_28 = tpu.memref_slice %arg10[%mul3A_7, %dma_start3A_27] : memref<10240x128xf32, #tpu.memory_space<vmem_shared>> -> memref<640x128xf32, #tpu.memory_space<vmem_shared>>
      tpu.enqueue_dma source(%dma_start3A_28 : memref<640x128xf32, #tpu.memory_space<vmem_shared>>) target(%dma_start3A_26 : memref<640x128xf32, #tpu.memory_space<hbm>>) target_semaphore(%run_scoped3A : memref<!tpu.dma_semaphore, #tpu.memory_space<semaphore_mem>>)
      %dma_wait3A = arith.constant 0 : i32
      %dma_wait3A_29 = tpu.memref_slice %arg6[%add3A_24, %dma_wait3A] : memref<20480x128xf32, #tpu.memory_space<hbm>> -> memref<640x128xf32, #tpu.memory_space<hbm>>
      %dma_wait3A_30 = arith.constant 0 : i32
      %dma_wait3A_31 = tpu.memref_slice %arg10[%mul3A_7, %dma_wait3A_30] : memref<10240x128xf32, #tpu.memory_space<vmem_shared>> -> memref<640x128xf32, #tpu.memory_space<vmem_shared>>
      tpu.wait_dma2 semaphore(%run_scoped3A : memref<!tpu.dma_semaphore, #tpu.memory_space<semaphore_mem>>) src(%dma_wait3A_31 : memref<640x128xf32, #tpu.memory_space<vmem_shared>>) dst(%dma_wait3A_29 : memref<640x128xf32, #tpu.memory_space<hbm>>)
      tpu.yield
    }) : () -> ()
    %barrier3A_25 = arith.constant 0 : index
    tpu.barrier barrier_id(%barrier3A_25)
    return
  }
}

#map = affine_map<(d0, d1) -> (0)>
#map1 = affine_map<(d0, d1) -> (0, 0)>
module attributes {stable_mosaic.version = 14 : i64} {
  func.func @_hist(%arg0: i32, %arg1: i32, %arg2: memref<160000xi32, #tpu.memory_space<hbm>>, %arg3: memref<128x128xf32, #tpu.memory_space<hbm>>, %arg4: memref<640x128xf32, #tpu.memory_space<hbm>>, %arg5: memref<20480x128xf32, #tpu.memory_space<hbm>>, %arg6: memref<128xi32, #tpu.memory_space<vmem>>, %arg7: memref<128x128xf32, #tpu.memory_space<vmem>>, %arg8: memref<10240x128xf32, #tpu.memory_space<vmem_shared>>) attributes {dimension_semantics = [#tpu.dimension_semantics<core_parallel>, #tpu.dimension_semantics<subcore_parallel>], iteration_bounds = array<i64: 2, 16>, scalar_prefetch = 0 : i64, scratch_operands = 3 : i64, tpu.core_type = #tpu.core_type<sc_vector_subcore>, window_params = [{transform_indices = #map}, {transform_indices = #map1}, {transform_indices = #map1}, {transform_indices = #map1}]} {
    %mul3A = arith.constant 16 : i32
    %mul3A_0 = arith.muli %arg0, %mul3A : i32
    %add3A = arith.addi %mul3A_0, %arg1 : i32
    "tpu.region"() ({
      %run_scoped3A = tpu.sem_alloc : memref<!tpu.dma_semaphore, #tpu.memory_space<semaphore_mem>>
      tpu.enqueue_dma source(%arg3 : memref<128x128xf32, #tpu.memory_space<hbm>>) target(%arg7 : memref<128x128xf32, #tpu.memory_space<vmem>>) target_semaphore(%run_scoped3A : memref<!tpu.dma_semaphore, #tpu.memory_space<semaphore_mem>>)
      tpu.wait_dma2 semaphore(%run_scoped3A : memref<!tpu.dma_semaphore, #tpu.memory_space<semaphore_mem>>) src(%arg3 : memref<128x128xf32, #tpu.memory_space<hbm>>) dst(%arg7 : memref<128x128xf32, #tpu.memory_space<vmem>>)
      tpu.yield
    }) : () -> ()
    %mul3A_1 = arith.constant 640 : i32
    %mul3A_2 = arith.muli %arg1, %mul3A_1 : i32
    "tpu.region"() ({
      %run_scoped3A = tpu.sem_alloc : memref<!tpu.dma_semaphore, #tpu.memory_space<semaphore_mem>>
      %dma_start3A = arith.constant 0 : i32
      %dma_start3A_26 = tpu.memref_slice %arg8[%mul3A_2, %dma_start3A] : memref<10240x128xf32, #tpu.memory_space<vmem_shared>> -> memref<640x128xf32, #tpu.memory_space<vmem_shared>>
      tpu.enqueue_dma source(%arg4 : memref<640x128xf32, #tpu.memory_space<hbm>>) target(%dma_start3A_26 : memref<640x128xf32, #tpu.memory_space<vmem_shared>>) target_semaphore(%run_scoped3A : memref<!tpu.dma_semaphore, #tpu.memory_space<semaphore_mem>>)
      %dma_wait3A = arith.constant 0 : i32
      %dma_wait3A_27 = tpu.memref_slice %arg8[%mul3A_2, %dma_wait3A] : memref<10240x128xf32, #tpu.memory_space<vmem_shared>> -> memref<640x128xf32, #tpu.memory_space<vmem_shared>>
      tpu.wait_dma2 semaphore(%run_scoped3A : memref<!tpu.dma_semaphore, #tpu.memory_space<semaphore_mem>>) src(%arg4 : memref<640x128xf32, #tpu.memory_space<hbm>>) dst(%dma_wait3A_27 : memref<640x128xf32, #tpu.memory_space<vmem_shared>>)
      tpu.yield
    }) : () -> ()
    %barrier3A = arith.constant 0 : index
    tpu.barrier barrier_id(%barrier3A)
    %mul3A_3 = arith.constant 39 : i32
    %mul3A_4 = arith.muli %add3A, %mul3A_3 : i32
    %min3A = arith.constant 2 : i32
    %min3A_5 = arith.minsi %add3A, %min3A : i32
    %add3A_6 = arith.addi %mul3A_4, %min3A_5 : i32
    %lt3A = arith.constant 2 : i32
    %lt3A_7 = arith.cmpi slt, %add3A, %lt3A : i32
    %jit3A = arith.constant 1 : i32
    %jit3A_8 = arith.constant 0 : i32
    %select_n3A = arith.select %lt3A_7, %jit3A, %jit3A_8 : i32
    %add3A_9 = arith.constant 39 : i32
    %add3A_10 = arith.addi %add3A_9, %select_n3A : i32
    %while3A = arith.constant 0 : i32
    %while3A_11 = arith.constant 0 : i32
    %while3A_12 = arith.subi %add3A_10, %while3A_11 : i32
    %while3A_13 = arith.addi %while3A_11, %while3A_12 : i32
    %while3A_14 = arith.constant 1 : i32
    %while3A_15 = arith.divsi %while3A_12, %while3A_14 : i32
    %while3A_16 = arith.muli %while3A_15, %while3A_14 : i32
    %while3A_17 = arith.addi %while3A_11, %while3A_16 : i32
    %while3A_18 = arith.constant 1 : i32
    scf.for %while3A_26 = %while3A_11 to %while3A_17 step %while3A_18  : i32 {
      %add3A_27 = arith.addi %add3A_6, %while3A_26 : i32
      %mul3A_28 = arith.constant 128 : i32
      %mul3A_29 = arith.muli %add3A_27, %mul3A_28 : i32
      "tpu.region"() ({
        %run_scoped3A = tpu.sem_alloc : memref<!tpu.dma_semaphore, #tpu.memory_space<semaphore_mem>>
        %dma_start3A = tpu.memref_slice %arg2[%mul3A_29] : memref<160000xi32, #tpu.memory_space<hbm>> -> memref<128xi32, #tpu.memory_space<hbm>>
        %dma_start3A_30 = tpu.memref_slice %arg2[%mul3A_29] : memref<160000xi32, #tpu.memory_space<hbm>> -> memref<128xi32, #tpu.memory_space<hbm>>
        tpu.enqueue_dma source(%dma_start3A_30 : memref<128xi32, #tpu.memory_space<hbm>>) target(%arg6 : memref<128xi32, #tpu.memory_space<vmem>>) target_semaphore(%run_scoped3A : memref<!tpu.dma_semaphore, #tpu.memory_space<semaphore_mem>>)
        %dma_wait3A = tpu.memref_slice %arg2[%mul3A_29] : memref<160000xi32, #tpu.memory_space<hbm>> -> memref<128xi32, #tpu.memory_space<hbm>>
        %dma_wait3A_31 = tpu.memref_slice %arg2[%mul3A_29] : memref<160000xi32, #tpu.memory_space<hbm>> -> memref<128xi32, #tpu.memory_space<hbm>>
        tpu.wait_dma2 semaphore(%run_scoped3A : memref<!tpu.dma_semaphore, #tpu.memory_space<semaphore_mem>>) src(%dma_wait3A_31 : memref<128xi32, #tpu.memory_space<hbm>>) dst(%arg6 : memref<128xi32, #tpu.memory_space<vmem>>)
        tpu.yield
      }) : () -> ()
      "tpu.region"() ({
        %run_scoped3A = tpu.sem_alloc : memref<!tpu.dma_semaphore, #tpu.memory_space<semaphore_mem>>
        %dma_start3A = arith.constant 0 : i32
        %dma_start3A_30 = arith.constant 0 : i32
        %dma_start3A_31 = tpu.memref_slice %arg8[%dma_start3A, %dma_start3A_30] : memref<10240x128xf32, #tpu.memory_space<vmem_shared>> -> memref<10240x128xf32, #tpu.memory_space<vmem_shared>>
        tpu.enqueue_indirect_dma source(%arg7 : memref<128x128xf32, #tpu.memory_space<vmem>>) target(%dma_start3A_31 : memref<10240x128xf32, #tpu.memory_space<vmem_shared>>) offsets(%arg6 : memref<128xi32, #tpu.memory_space<vmem>>) semaphore(%run_scoped3A : memref<!tpu.dma_semaphore, #tpu.memory_space<semaphore_mem>>) {add = true}
        %dma_wait3A = arith.constant 0 : i32
        %dma_wait3A_32 = arith.constant 0 : i32
        %dma_wait3A_33 = tpu.memref_slice %arg8[%dma_wait3A, %dma_wait3A_32] : memref<10240x128xf32, #tpu.memory_space<vmem_shared>> -> memref<10240x128xf32, #tpu.memory_space<vmem_shared>>
        tpu.wait_indirect_dma semaphore(%run_scoped3A : memref<!tpu.dma_semaphore, #tpu.memory_space<semaphore_mem>>) src(%arg7 : memref<128x128xf32, #tpu.memory_space<vmem>>) dst(%dma_wait3A_33 : memref<10240x128xf32, #tpu.memory_space<vmem_shared>>)
        tpu.yield
      }) : () -> ()
    }
    %while3A_19 = arith.constant 1 : i32
    scf.for %while3A_26 = %while3A_17 to %while3A_13 step %while3A_19  : i32 {
      %add3A_27 = arith.addi %add3A_6, %while3A_26 : i32
      %mul3A_28 = arith.constant 128 : i32
      %mul3A_29 = arith.muli %add3A_27, %mul3A_28 : i32
      "tpu.region"() ({
        %run_scoped3A = tpu.sem_alloc : memref<!tpu.dma_semaphore, #tpu.memory_space<semaphore_mem>>
        %dma_start3A = tpu.memref_slice %arg2[%mul3A_29] : memref<160000xi32, #tpu.memory_space<hbm>> -> memref<128xi32, #tpu.memory_space<hbm>>
        %dma_start3A_30 = tpu.memref_slice %arg2[%mul3A_29] : memref<160000xi32, #tpu.memory_space<hbm>> -> memref<128xi32, #tpu.memory_space<hbm>>
        tpu.enqueue_dma source(%dma_start3A_30 : memref<128xi32, #tpu.memory_space<hbm>>) target(%arg6 : memref<128xi32, #tpu.memory_space<vmem>>) target_semaphore(%run_scoped3A : memref<!tpu.dma_semaphore, #tpu.memory_space<semaphore_mem>>)
        %dma_wait3A = tpu.memref_slice %arg2[%mul3A_29] : memref<160000xi32, #tpu.memory_space<hbm>> -> memref<128xi32, #tpu.memory_space<hbm>>
        %dma_wait3A_31 = tpu.memref_slice %arg2[%mul3A_29] : memref<160000xi32, #tpu.memory_space<hbm>> -> memref<128xi32, #tpu.memory_space<hbm>>
        tpu.wait_dma2 semaphore(%run_scoped3A : memref<!tpu.dma_semaphore, #tpu.memory_space<semaphore_mem>>) src(%dma_wait3A_31 : memref<128xi32, #tpu.memory_space<hbm>>) dst(%arg6 : memref<128xi32, #tpu.memory_space<vmem>>)
        tpu.yield
      }) : () -> ()
      "tpu.region"() ({
        %run_scoped3A = tpu.sem_alloc : memref<!tpu.dma_semaphore, #tpu.memory_space<semaphore_mem>>
        %dma_start3A = arith.constant 0 : i32
        %dma_start3A_30 = arith.constant 0 : i32
        %dma_start3A_31 = tpu.memref_slice %arg8[%dma_start3A, %dma_start3A_30] : memref<10240x128xf32, #tpu.memory_space<vmem_shared>> -> memref<10240x128xf32, #tpu.memory_space<vmem_shared>>
        tpu.enqueue_indirect_dma source(%arg7 : memref<128x128xf32, #tpu.memory_space<vmem>>) target(%dma_start3A_31 : memref<10240x128xf32, #tpu.memory_space<vmem_shared>>) offsets(%arg6 : memref<128xi32, #tpu.memory_space<vmem>>) semaphore(%run_scoped3A : memref<!tpu.dma_semaphore, #tpu.memory_space<semaphore_mem>>) {add = true}
        %dma_wait3A = arith.constant 0 : i32
        %dma_wait3A_32 = arith.constant 0 : i32
        %dma_wait3A_33 = tpu.memref_slice %arg8[%dma_wait3A, %dma_wait3A_32] : memref<10240x128xf32, #tpu.memory_space<vmem_shared>> -> memref<10240x128xf32, #tpu.memory_space<vmem_shared>>
        tpu.wait_indirect_dma semaphore(%run_scoped3A : memref<!tpu.dma_semaphore, #tpu.memory_space<semaphore_mem>>) src(%arg7 : memref<128x128xf32, #tpu.memory_space<vmem>>) dst(%dma_wait3A_33 : memref<10240x128xf32, #tpu.memory_space<vmem_shared>>)
        tpu.yield
      }) : () -> ()
    }
    %barrier3A_20 = arith.constant 0 : index
    tpu.barrier barrier_id(%barrier3A_20)
    %mul3A_21 = arith.constant 640 : i32
    %mul3A_22 = arith.muli %arg1, %mul3A_21 : i32
    %mul3A_23 = arith.constant 10240 : i32
    %mul3A_24 = arith.muli %arg0, %mul3A_23 : i32
    %add3A_25 = arith.addi %mul3A_24, %mul3A_22 : i32
    "tpu.region"() ({
      %run_scoped3A = tpu.sem_alloc : memref<!tpu.dma_semaphore, #tpu.memory_space<semaphore_mem>>
      %dma_start3A = arith.constant 0 : i32
      %dma_start3A_26 = tpu.memref_slice %arg5[%add3A_25, %dma_start3A] : memref<20480x128xf32, #tpu.memory_space<hbm>> -> memref<640x128xf32, #tpu.memory_space<hbm>>
      %dma_start3A_27 = arith.constant 0 : i32
      %dma_start3A_28 = tpu.memref_slice %arg8[%mul3A_22, %dma_start3A_27] : memref<10240x128xf32, #tpu.memory_space<vmem_shared>> -> memref<640x128xf32, #tpu.memory_space<vmem_shared>>
      tpu.enqueue_dma source(%dma_start3A_28 : memref<640x128xf32, #tpu.memory_space<vmem_shared>>) target(%dma_start3A_26 : memref<640x128xf32, #tpu.memory_space<hbm>>) target_semaphore(%run_scoped3A : memref<!tpu.dma_semaphore, #tpu.memory_space<semaphore_mem>>)
      %dma_wait3A = arith.constant 0 : i32
      %dma_wait3A_29 = tpu.memref_slice %arg5[%add3A_25, %dma_wait3A] : memref<20480x128xf32, #tpu.memory_space<hbm>> -> memref<640x128xf32, #tpu.memory_space<hbm>>
      %dma_wait3A_30 = arith.constant 0 : i32
      %dma_wait3A_31 = tpu.memref_slice %arg8[%mul3A_22, %dma_wait3A_30] : memref<10240x128xf32, #tpu.memory_space<vmem_shared>> -> memref<640x128xf32, #tpu.memory_space<vmem_shared>>
      tpu.wait_dma2 semaphore(%run_scoped3A : memref<!tpu.dma_semaphore, #tpu.memory_space<semaphore_mem>>) src(%dma_wait3A_31 : memref<640x128xf32, #tpu.memory_space<vmem_shared>>) dst(%dma_wait3A_29 : memref<640x128xf32, #tpu.memory_space<hbm>>)
      tpu.yield
    }) : () -> ()
    return
  }
}

module attributes {stable_mosaic.version = 14 : i64} {
  func.func @_m1_body(%arg0: i32, %arg1: i32, %arg2: memref<320x256xf32, #tpu.memory_space<vmem>>, %arg3: memref<256x128xf32, #tpu.memory_space<vmem>>, %arg4: memref<320x1xf32, #tpu.memory_space<vmem>>, %arg5: memref<320x128xf32, #tpu.memory_space<vmem>>) attributes {dimension_semantics = [#tpu.dimension_semantics<arbitrary>, #tpu.dimension_semantics<arbitrary>], iteration_bounds = array<i64: 4, 32>, scalar_prefetch = 0 : i64, scratch_operands = 0 : i64, tpu.core_type = #tpu.core_type<tc>, window_params = [{transform_indices = @transform_0, window_bounds = array<i64: 320, 256>}, {transform_indices = @transform_1, window_bounds = array<i64: 256, 128>}, {transform_indices = @transform_2, window_bounds = array<i64: 320, 1>}, {transform_indices = @transform_3, window_bounds = array<i64: 320, 128>}]} {
    %get3A = arith.constant 0 : index
    %get3A_0 = arith.constant 0 : index
    %get3A_1 = vector.load %arg2[%get3A, %get3A_0] : memref<320x256xf32, #tpu.memory_space<vmem>>, vector<320x256xf32>
    %get3A_2 = arith.constant 0 : index
    %get3A_3 = arith.constant 0 : index
    %get3A_4 = vector.load %arg4[%get3A_2, %get3A_3] : memref<320x1xf32, #tpu.memory_space<vmem>>, vector<320x1xf32>
    %mul3A = vector.broadcast %get3A_4 : vector<320x1xf32> to vector<320x256xf32>
    %mul3A_5 = arith.mulf %get3A_1, %mul3A : vector<320x256xf32>
    %get3A_6 = arith.constant 0 : index
    %get3A_7 = arith.constant 0 : index
    %get3A_8 = vector.load %arg3[%get3A_6, %get3A_7] : memref<256x128xf32, #tpu.memory_space<vmem>>, vector<256x128xf32>
    %dot_general3A = arith.constant dense<0.000000e+00> : vector<320x128xf32>
    %dot_general3A_9 = tpu.matmul %mul3A_5, %get3A_8, %dot_general3A {dimension_numbers = #tpu.dot_dimension_numbers<[1], [0], [0], [1], [0, 0, 1, 1], [], []>, transpose_lhs_hint = false} : vector<320x256xf32>, vector<256x128xf32>, vector<320x128xf32> -> vector<320x128xf32>
    %swap3A = arith.constant 0 : index
    %swap3A_10 = arith.constant 0 : index
    %swap3A_11 = vector.load %arg5[%swap3A, %swap3A_10] : memref<320x128xf32, #tpu.memory_space<vmem>>, vector<320x128xf32>
    tpu.vector_store %arg5[%swap3A, %swap3A_10], %dot_general3A_9 {strides = array<i32>} : memref<320x128xf32, #tpu.memory_space<vmem>>, vector<320x128xf32>,
    return
  }
  func.func @transform_0(%arg0: i32, %arg1: i32) -> (i32, i32) {
    %c0_i32 = arith.constant 0 : i32
    %c0_i32_0 = arith.constant 0 : i32
    return %arg1, %c0_i32 : i32, i32
  }
  func.func @transform_1(%arg0: i32, %arg1: i32) -> (i32, i32) {
    %c0_i32 = arith.constant 0 : i32
    %c0_i32_0 = arith.constant 0 : i32
    return %c0_i32, %arg0 : i32, i32
  }
  func.func @transform_2(%arg0: i32, %arg1: i32) -> (i32, i32) {
    %c0_i32 = arith.constant 0 : i32
    %c0_i32_0 = arith.constant 0 : i32
    return %arg1, %c0_i32 : i32, i32
  }
  func.func @transform_3(%arg0: i32, %arg1: i32) -> (i32, i32) {
    %mul3A = arith.constant 32 : i32
    %mul3A_0 = arith.muli %arg0, %mul3A : i32
    %add3A = arith.addi %mul3A_0, %arg1 : i32
    %c0_i32 = arith.constant 0 : i32
    %c0_i32_1 = arith.constant 0 : i32
    return %add3A, %c0_i32 : i32, i32
  }
}

module attributes {stable_mosaic.version = 14 : i64} {
  func.func @_m2_body(%arg0: i32, %arg1: i32, %arg2: memref<320x128xf32, #tpu.memory_space<vmem>>, %arg3: memref<320x128xf32, #tpu.memory_space<vmem>>, %arg4: memref<320x1xf32, #tpu.memory_space<vmem>>, %arg5: memref<1x1x128xf32, #tpu.memory_space<vmem>>, %arg6: memref<128x256xf32, #tpu.memory_space<vmem>>, %arg7: memref<320x256xf32, #tpu.memory_space<vmem>>) attributes {dimension_semantics = [#tpu.dimension_semantics<arbitrary>, #tpu.dimension_semantics<arbitrary>], iteration_bounds = array<i64: 32, 4>, scalar_prefetch = 0 : i64, scratch_operands = 0 : i64, tpu.core_type = #tpu.core_type<tc>, window_params = [{transform_indices = @transform_0, window_bounds = array<i64: 320, 128>}, {transform_indices = @transform_1, window_bounds = array<i64: 320, 128>}, {transform_indices = @transform_2, window_bounds = array<i64: 320, 1>}, {transform_indices = @transform_3, window_bounds = array<i64: 1, 1, 128>}, {transform_indices = @transform_4, window_bounds = array<i64: 128, 256>}, {transform_indices = @transform_5, window_bounds = array<i64: 320, 256>}]} {
    %get3A = arith.constant 0 : index
    %get3A_0 = arith.constant 0 : index
    %get3A_1 = vector.load %arg4[%get3A, %get3A_0] : memref<320x1xf32, #tpu.memory_space<vmem>>, vector<320x1xf32>
    %get3A_2 = arith.constant 0 : index
    %get3A_3 = arith.constant 0 : index
    %get3A_4 = vector.load %arg2[%get3A_2, %get3A_3] : memref<320x128xf32, #tpu.memory_space<vmem>>, vector<320x128xf32>
    %get3A_5 = arith.constant 0 : index
    %get3A_6 = arith.constant 0 : index
    %get3A_7 = vector.load %arg3[%get3A_5, %get3A_6] : memref<320x128xf32, #tpu.memory_space<vmem>>, vector<320x128xf32>
    %add3A = arith.addf %get3A_4, %get3A_7 : vector<320x128xf32>
    %mul3A = vector.broadcast %get3A_1 : vector<320x1xf32> to vector<320x128xf32>
    %mul3A_8 = arith.mulf %mul3A, %add3A : vector<320x128xf32>
    %get3A_9 = arith.constant 0 : index
    %get3A_10 = arith.constant 0 : index
    %get3A_11 = arith.constant 0 : index
    %get3A_12 = vector.load %arg5[%get3A_9, %get3A_10, %get3A_11] : memref<1x1x128xf32, #tpu.memory_space<vmem>>, vector<1x1x128xf32>
    %get3A_13 = vector.shape_cast %get3A_12 : vector<1x1x128xf32> to vector<1x128xf32>
    %add3A_14 = vector.broadcast %get3A_13 : vector<1x128xf32> to vector<320x128xf32>
    %add3A_15 = arith.addf %mul3A_8, %add3A_14 : vector<320x128xf32>
    %max3A = arith.constant 0.000000e+00 : f32
    %max3A_16 = vector.broadcast %max3A : f32 to vector<320x128xf32>
    %max3A_17 = arith.maximumf %add3A_15, %max3A_16 : vector<320x128xf32>
    %mul3A_18 = vector.broadcast %get3A_1 : vector<320x1xf32> to vector<320x128xf32>
    %mul3A_19 = arith.mulf %mul3A_18, %max3A_17 : vector<320x128xf32>
    %get3A_20 = arith.constant 0 : index
    %get3A_21 = arith.constant 0 : index
    %get3A_22 = vector.load %arg6[%get3A_20, %get3A_21] : memref<128x256xf32, #tpu.memory_space<vmem>>, vector<128x256xf32>
    %dot_general3A = arith.constant dense<0.000000e+00> : vector<320x256xf32>
    %dot_general3A_23 = tpu.matmul %mul3A_19, %get3A_22, %dot_general3A {dimension_numbers = #tpu.dot_dimension_numbers<[1], [0], [0], [1], [0, 0, 1, 1], [], []>, transpose_lhs_hint = false} : vector<320x128xf32>, vector<128x256xf32>, vector<320x256xf32> -> vector<320x256xf32>
    %eq3A = arith.constant 0 : i32
    %eq3A_24 = arith.cmpi eq, %arg1, %eq3A : i32
    %convert_element_type3A = arith.extui %eq3A_24 : i1 to i32
    %cond3A = arith.constant 0 : i32
    %cond3A_25 = arith.cmpi ne, %convert_element_type3A, %cond3A : i32
    scf.if %cond3A_25 {
      %swap3A = arith.constant 0 : index
      %swap3A_30 = arith.constant 0 : index
      %swap3A_31 = vector.load %arg7[%swap3A, %swap3A_30] : memref<320x256xf32, #tpu.memory_space<vmem>>, vector<320x256xf32>
      tpu.vector_store %arg7[%swap3A, %swap3A_30], %dot_general3A_23 {strides = array<i32>} : memref<320x256xf32, #tpu.memory_space<vmem>>, vector<320x256xf32>,
    } else {
    }
    %gt3A = arith.constant 0 : i32
    %gt3A_26 = arith.cmpi sgt, %arg1, %gt3A : i32
    %convert_element_type3A_27 = arith.extui %gt3A_26 : i1 to i32
    %cond3A_28 = arith.constant 0 : i32
    %cond3A_29 = arith.cmpi ne, %convert_element_type3A_27, %cond3A_28 : i32
    scf.if %cond3A_29 {
      %get3A_30 = arith.constant 0 : index
      %get3A_31 = arith.constant 0 : index
      %get3A_32 = vector.load %arg7[%get3A_30, %get3A_31] : memref<320x256xf32, #tpu.memory_space<vmem>>, vector<320x256xf32>
      %add3A_33 = arith.addf %get3A_32, %dot_general3A_23 : vector<320x256xf32>
      %swap3A = arith.constant 0 : index
      %swap3A_34 = arith.constant 0 : index
      %swap3A_35 = vector.load %arg7[%swap3A, %swap3A_34] : memref<320x256xf32, #tpu.memory_space<vmem>>, vector<320x256xf32>
      tpu.vector_store %arg7[%swap3A, %swap3A_34], %add3A_33 {strides = array<i32>} : memref<320x256xf32, #tpu.memory_space<vmem>>, vector<320x256xf32>,
    } else {
    }
    return
  }
  func.func @transform_0(%arg0: i32, %arg1: i32) -> (i32, i32) {
    %mul3A = arith.constant 32 : i32
    %mul3A_0 = arith.muli %arg1, %mul3A : i32
    %add3A = arith.addi %mul3A_0, %arg0 : i32
    %c0_i32 = arith.constant 0 : i32
    %c0_i32_1 = arith.constant 0 : i32
    return %add3A, %c0_i32 : i32, i32
  }
  func.func @transform_1(%arg0: i32, %arg1: i32) -> (i32, i32) {
    %mul3A = arith.constant 32 : i32
    %mul3A_0 = arith.muli %arg1, %mul3A : i32
    %add3A = arith.addi %mul3A_0, %arg0 : i32
    %c0_i32 = arith.constant 0 : i32
    %c0_i32_1 = arith.constant 0 : i32
    return %add3A, %c0_i32 : i32, i32
  }
  func.func @transform_2(%arg0: i32, %arg1: i32) -> (i32, i32) {
    %c0_i32 = arith.constant 0 : i32
    %c0_i32_0 = arith.constant 0 : i32
    return %arg0, %c0_i32 : i32, i32
  }
  func.func @transform_3(%arg0: i32, %arg1: i32) -> (i32, i32, i32) {
    %c0_i32 = arith.constant 0 : i32
    %c0_i32_0 = arith.constant 0 : i32
    %c0_i32_1 = arith.constant 0 : i32
    return %arg1, %c0_i32, %c0_i32_0 : i32, i32, i32
  }
  func.func @transform_4(%arg0: i32, %arg1: i32) -> (i32, i32) {
    %c0_i32 = arith.constant 0 : i32
    %c0_i32_0 = arith.constant 0 : i32
    return %arg1, %c0_i32 : i32, i32
  }
  func.func @transform_5(%arg0: i32, %arg1: i32) -> (i32, i32) {
    %c0_i32 = arith.constant 0 : i32
    %c0_i32_0 = arith.constant 0 : i32
    return %arg0, %c0_i32 : i32, i32
  }
}

module attributes {stable_mosaic.version = 14 : i64} {
  func.func @_m3_body(%arg0: i32, %arg1: i32, %arg2: memref<320x128xf32, #tpu.memory_space<vmem>>, %arg3: memref<320x128xf32, #tpu.memory_space<vmem>>, %arg4: memref<320x1xf32, #tpu.memory_space<vmem>>, %arg5: memref<1x1x128xf32, #tpu.memory_space<vmem>>, %arg6: memref<320x128xf32, #tpu.memory_space<vmem>>) attributes {dimension_semantics = [#tpu.dimension_semantics<arbitrary>, #tpu.dimension_semantics<arbitrary>], iteration_bounds = array<i64: 32, 2>, scalar_prefetch = 0 : i64, scratch_operands = 0 : i64, tpu.core_type = #tpu.core_type<tc>, window_params = [{transform_indices = @transform_0, window_bounds = array<i64: 320, 128>}, {transform_indices = @transform_1, window_bounds = array<i64: 320, 128>}, {transform_indices = @transform_2, window_bounds = array<i64: 320, 1>}, {transform_indices = @transform_3, window_bounds = array<i64: 1, 1, 128>}, {transform_indices = @transform_4, window_bounds = array<i64: 320, 128>}]} {
    %get3A = arith.constant 0 : index
    %get3A_0 = arith.constant 0 : index
    %get3A_1 = vector.load %arg4[%get3A, %get3A_0] : memref<320x1xf32, #tpu.memory_space<vmem>>, vector<320x1xf32>
    %get3A_2 = arith.constant 0 : index
    %get3A_3 = arith.constant 0 : index
    %get3A_4 = vector.load %arg2[%get3A_2, %get3A_3] : memref<320x128xf32, #tpu.memory_space<vmem>>, vector<320x128xf32>
    %get3A_5 = arith.constant 0 : index
    %get3A_6 = arith.constant 0 : index
    %get3A_7 = vector.load %arg3[%get3A_5, %get3A_6] : memref<320x128xf32, #tpu.memory_space<vmem>>, vector<320x128xf32>
    %add3A = arith.addf %get3A_4, %get3A_7 : vector<320x128xf32>
    %mul3A = vector.broadcast %get3A_1 : vector<320x1xf32> to vector<320x128xf32>
    %mul3A_8 = arith.mulf %mul3A, %add3A : vector<320x128xf32>
    %get3A_9 = arith.constant 0 : index
    %get3A_10 = arith.constant 0 : index
    %get3A_11 = arith.constant 0 : index
    %get3A_12 = vector.load %arg5[%get3A_9, %get3A_10, %get3A_11] : memref<1x1x128xf32, #tpu.memory_space<vmem>>, vector<1x1x128xf32>
    %get3A_13 = vector.shape_cast %get3A_12 : vector<1x1x128xf32> to vector<1x128xf32>
    %add3A_14 = vector.broadcast %get3A_13 : vector<1x128xf32> to vector<320x128xf32>
    %add3A_15 = arith.addf %mul3A_8, %add3A_14 : vector<320x128xf32>
    %swap3A = arith.constant 0 : index
    %swap3A_16 = arith.constant 0 : index
    %swap3A_17 = vector.load %arg6[%swap3A, %swap3A_16] : memref<320x128xf32, #tpu.memory_space<vmem>>, vector<320x128xf32>
    tpu.vector_store %arg6[%swap3A, %swap3A_16], %add3A_15 {strides = array<i32>} : memref<320x128xf32, #tpu.memory_space<vmem>>, vector<320x128xf32>,
    return
  }
  func.func @transform_0(%arg0: i32, %arg1: i32) -> (i32, i32) {
    %mul3A = arith.constant 32 : i32
    %mul3A_0 = arith.muli %arg1, %mul3A : i32
    %add3A = arith.addi %mul3A_0, %arg0 : i32
    %c0_i32 = arith.constant 0 : i32
    %c0_i32_1 = arith.constant 0 : i32
    return %add3A, %c0_i32 : i32, i32
  }
  func.func @transform_1(%arg0: i32, %arg1: i32) -> (i32, i32) {
    %mul3A = arith.constant 32 : i32
    %mul3A_0 = arith.muli %arg1, %mul3A : i32
    %add3A = arith.addi %mul3A_0, %arg0 : i32
    %c0_i32 = arith.constant 0 : i32
    %c0_i32_1 = arith.constant 0 : i32
    return %add3A, %c0_i32 : i32, i32
  }
  func.func @transform_2(%arg0: i32, %arg1: i32) -> (i32, i32) {
    %c0_i32 = arith.constant 0 : i32
    %c0_i32_0 = arith.constant 0 : i32
    return %arg0, %c0_i32 : i32, i32
  }
  func.func @transform_3(%arg0: i32, %arg1: i32) -> (i32, i32, i32) {
    %c0_i32 = arith.constant 0 : i32
    %c0_i32_0 = arith.constant 0 : i32
    %c0_i32_1 = arith.constant 0 : i32
    return %arg1, %c0_i32, %c0_i32_0 : i32, i32, i32
  }
  func.func @transform_4(%arg0: i32, %arg1: i32) -> (i32, i32) {
    %c0_i32 = arith.constant 0 : i32
    return %arg0, %arg1 : i32, i32
  }
}

</mosaic_0001>

<sc_bundles>
// kernel: kernel.11.cloned.1.call-start
scs
__scs_entry_jumppad:
0x0: {  	(pc) =	sbr.rel $0x88, $3  }
0x1: {  	(tag) =	ssettag $0x0;
	lr =	simm.s32 $0x1  }
0x2: {  	[smem:$0x3F9B] =	sst lr;
	_ =	strace $0xD0000000  }
0x3: {  	_ = 	snop  }
0x4: {  	_ = 	snop  }
0x5: {  	_ = 	snop  }
0x6: {  	_ = 	snop  }
0x7: {  	_ = 	snop  }
__scs_overlays_trampoline_lowered:
0x8: {  	[smem:$0x3FAA] =	sst s0  }
0x9: {  	[smem:$0x3FAB] =	sst s1  }
0xa: {  	[smem:$0x3FAC] =	sst s2  }
0xb: {  	[smem:$0x3FAD] =	sst s3  }
0xc: {  	[smem:$0x3FAE] =	sst s4  }
0xd: {  	[smem:$0x3FAF] =	sst s5  }
0xe: {  	[smem:$0x3FB0] =	sst s6  }
0xf: {  	[smem:$0x3FB1] =	sst s7  }
0x10: {  	[smem:$0x3FB2] =	sst s8  }
0x11: {  	[smem:$0x3FB3] =	sst s9;
	s0 =	simm.s32 @!p0 $0x0  }
0x12: {  	s1 =	sld [smem:$0x3F99];
	s0 =	simm.s32 @p0 $0x1  }
0x13: {  	[smem:$0x3FB4] =	sst s0;
	s0 =	simm.s32 @!p1 $0x0  }
0x14: {  	s2 =	sld [smem:$0x3F98];
	s0 =	simm.s32 @p1 $0x1  }
0x15: {  	[smem:$0x3FB5] =	sst s0;
	s0 =	simm.s32 @!p2 $0x0  }
0x16: {  	s3 =	sld [smem:$0x3FDB];
	s0 =	simm.s32 @p2 $0x1  }
0x17: {  	s4 =	simm.s32 $0x1BF5;
	[smem:$0x3FB7] =	sst s0  }
0x18: {  	s0 =	sld [smem:$0x3F9A];
	_ =	swait.ge [sflag:s4], $0x0  }
0x19: {  	s7 =	sld [smem:$0x3F9B]  }
0x1a: {  	s8 =	sadd.s32 $0xFFFFE003, lr  }
0x1b: {  	s9 =	sadd.s32 $0xFFFFFEF7, lr;
	s5 =	simm.s32 $0xFFFFFFFF;
	p2 =	slt.u32 s8, $0xFFFFF086  }
0x1c: {  	p1 =	slt.u32 s9, $0xF7A;
	s5 =	simm.s32 @!p2 $0x0  }
0x1d: {  	s5 =	simm.s32 @p1 $0x1;
	p0 =	seq.s32 s7, s2  }
0x1e: {  	s7 =	smul.u32 @!p0 $0xF7A, s2;
	p2 =	seq.s32 @!p0 s5, $0x0  }
0x1f: {  	s9 =	smul.u32 $0xF7A, s1;
	s8 =	simm.s32 @!p0 $0x1BF5;
	p2 =	por !p2, p0  }
0x20: {  	[sflag:s8] =	ssyncset.s32 @!p0 $0xFFFFF086;
	s6 =	sadd.s32 @!p0 s3, s7;
	s7 =	simm.s32 @!p0 $0x108  }
0x21: {  	s3 =	sadd.s32 s3, s9;
	s6 =	sadd.s32 @!p0 $0x88, s6;
	s7 =	simm.s32 @p2 $0x1082  }
0x22: {  	[simem:s7], [sflag:s8] =	dma.local @!p0 [hbm:s6], $0xF7A  }
0x23: {  	s9 =	sor.u32 $0xD0000000, s2;
	s6 =	simm.s32 $0x108;
	_ =	swait.ge @!p0 [sflag:s8], $0x0  }
0x24: {  	s3 =	sadd.s32 $0x88, s3;
	s6 =	simm.s32 @!p1 $0x1082;
	[sflag:s4] =	ssyncset.s32 $0xFFFFF086  }
0x25: {  	[simem:s6], [sflag:s4] =	dma.local [hbm:s3], $0xF7A  }
0x26: {  	[smem:$0x3F9B] =	sst s1;
	(tag) =	ssettag s2;
	_ =	strace s9  }
0x27: {  	s1 =	sld [smem:$0x3FAB]  }
0x28: {  	s2 =	sld [smem:$0x3FAC]  }
0x29: {  	s4 =	sld [smem:$0x3FAE]  }
0x2a: {  	p0 =	seq.s32 s5, $0x0;
	s5 =	sld [smem:$0x3FAF]  }
0x2b: {  	s6 =	sld [smem:$0x3FB0]  }
0x2c: {  	s7 =	sld [smem:$0x3FB1]  }
0x2d: {  	s3 =	simm.s32 $0x108;
	s8 =	sld [smem:$0x3FB2]  }
0x2e: {  	s3 =	simm.s32 @!p0 $0x1082;
	s9 =	sld [smem:$0x3FB3]  }
0x2f: {  	lr =	sadd.s32 s0, s3;
	s0 =	sld [smem:$0x3FAA]  }
0x30: {  	s3 =	sld [smem:$0x3FAD]  }
0x31: {  	[smem:$0x3FB6] =	sst s10  }
0x32: {  	s10 =	sld [smem:$0x3FB4];
	_ =	sdelay $0x3  }
0x33: {  	p0 =	seq.s32 s10, $0x1;
	s10 =	sld [smem:$0x3FB6];
	_ =	sdelay $0x3  }
0x34: {  	[smem:$0x3FB6] =	sst s10  }
0x35: {  	s10 =	sld [smem:$0x3FB5];
	_ =	sdelay $0x3  }
0x36: {  	p1 =	seq.s32 s10, $0x1;
	s10 =	sld [smem:$0x3FB6];
	_ =	sdelay $0x3  }
0x37: {  	[smem:$0x3FB6] =	sst s10  }
0x38: {  	s10 =	sld [smem:$0x3FB7]  }
0x39: {  	_ = 	snop;
	(pc) =	sbr.ind lr, $3  }
0x3a: {  	_ = 	snop  }
0x3b: {  	_ = 	snop  }
0x3c: {  	p2 =	seq.s32 s10, $0x1;
	s10 =	sld [smem:$0x3FB6]  }
0x3d: {  	_ =	shalt  }
0x3e: {  	_ =	shalt  }
0x3f: {  	_ =	shalt  }
0x40: {  	_ =	shalt  }
0x41: {  	_ =	shalt  }
0x42: {  	_ =	shalt  }
0x43: {  	_ =	shalt  }
0x44: {  	_ =	shalt  }
0x45: {  	_ =	shalt  }
0x46: {  	_ =	shalt  }
0x47: {  	_ =	shalt  }
0x48: {  	_ =	shalt  }
0x49: {  	_ =	shalt  }
0x4a: {  	_ =	shalt  }
0x4b: {  	_ =	shalt  }
0x4c: {  	_ =	shalt  }
0x4d: {  	_ =	shalt  }
0x4e: {  	_ =	shalt  }
0x4f: {  	_ =	shalt  }
0x50: {  	_ =	shalt  }
0x51: {  	_ =	shalt  }
0x52: {  	_ =	shalt  }
0x53: {  	_ =	shalt  }
0x54: {  	_ =	shalt  }
0x55: {  	_ =	shalt  }
0x56: {  	_ =	shalt  }
0x57: {  	_ =	shalt  }
0x58: {  	_ =	shalt  }
0x59: {  	_ =	shalt  }
0x5a: {  	_ =	shalt  }
0x5b: {  	_ =	shalt  }
0x5c: {  	_ =	shalt  }
0x5d: {  	_ =	shalt  }
0x5e: {  	_ =	shalt  }
0x5f: {  	_ =	shalt  }
0x60: {  	_ =	shalt  }
0x61: {  	_ =	shalt  }
0x62: {  	_ =	shalt  }
0x63: {  	_ =	shalt  }
0x64: {  	_ =	shalt  }
0x65: {  	_ =	shalt  }
0x66: {  	_ =	shalt  }
0x67: {  	_ =	shalt  }
0x68: {  	_ =	shalt  }
0x69: {  	_ =	shalt  }
0x6a: {  	_ =	shalt  }
0x6b: {  	_ =	shalt  }
0x6c: {  	_ =	shalt  }
0x6d: {  	_ =	shalt  }
0x6e: {  	_ =	shalt  }
0x6f: {  	_ =	shalt  }
0x70: {  	_ =	shalt  }
0x71: {  	_ =	shalt  }
0x72: {  	_ =	shalt  }
0x73: {  	_ =	shalt  }
0x74: {  	_ =	shalt  }
0x75: {  	_ =	shalt  }
0x76: {  	_ =	shalt  }
0x77: {  	_ =	shalt  }
0x78: {  	_ =	shalt  }
0x79: {  	_ =	shalt  }
0x7a: {  	_ =	shalt  }
0x7b: {  	_ =	shalt  }
0x7c: {  	_ =	shalt  }
0x7d: {  	_ =	shalt  }
0x7e: {  	_ =	shalt  }
0x7f: {  	_ =	shalt  }
0x80: {  	_ =	shalt  }
0x81: {  	_ =	shalt  }
0x82: {  	_ =	shalt  }
0x83: {  	_ =	shalt  }
0x84: {  	_ =	shalt  }
0x85: {  	_ =	shalt  }
0x86: {  	_ =	shalt  }
0x87: {  	_ =	shalt  }
.Lfunc_end0:
.L_simem_size_0:
called_computation.1_lowered:
.L_overlay_start_0:
0x88: {  	s2 =	sld [smem:$0x3FD9]  }
0x89: {  	s3 =	sld [smem:$0x3FFE];
	_ =	sdelay $0x1  }
0x8a: {  	s1 =	srdreg.scid  }
0x8b: {  	s0 =	sand.u32 $0x1, s1  }
0x8c: {  	s17 =	sshll.u32 s0, $0xA;
	s2 =	sadd.s32 s3, s2  }
0x8d: {  	s2 =	sadd.s32 s2, s17  }
0x8e: {  	[smem:$0x3FC2] =	sst s2  }
0x8f: {  	_ = 	snop  }
0x90: {  	s2 =	sld [smem:$0x3FD0];
	(tm) =	ssettm $0x1  }
0x91: {  	s18 =	sld [smem:$0x3FFB];
	_ =	sdelay $0x3  }
0x92: {  	_ =	strace s18  }
0x93: {  	s3 =	sld [smem:$0x3FFC];
	_ =	sdelay $0x3  }
0x94: {  	_ =	strace s3  }
0x95: {  	s3 =	sld [smem:$0x3FFD];
	_ =	sdelay $0x3  }
0x96: {  	_ =	strace s3  }
0x97: {  	_ =	strace $0x8FFFFFFF  }
0x98: {  	s19 =	sld [smem:$0x3FDB];
	_ =	sdelay $0x1  }
0x99: {  	s4 =	simm.s32 $_scs_section_size  }
0x9a: {  	s5 =	simm.s32 $_size__tile_overlayer_lowered;
	s6 =	simm.s32 $_tile_overlayer_lowered  }
0x9b: {  	s22 =	simm.s32 $0x1BFF;
	s21 =	sshll.u32 s6, $0x1;
	s3 =	sadd.s32 s4, s19  }
0x9c: {  	s7 =	simm.s32 $0x0;
	s20 =	sshll.u32 s5, $0x1;
	s5 =	sadd.s32 s21, s3  }
0x9d: {  	[timem:s7], [sflag:s22] =	dma.local [hbm:s5], s20  }
0x9e: {  	_ =	swait.ge [sflag:s22], s20  }
0x9f: {  	s4 =	ssub.s32 $0x0, s20;
	[sflag:s22] =	ssyncset.done $0x0  }
0xa0: {  	[sflag:s22] =	ssyncadd.s32 s4;
	_ =	sdelay $0x1  }
0xa1: {  	s23 =	simm.s32 $0x1B8B  }
0xa2: {  	_ =	swait.ge [sflag:s23], $0x1  }
0xa3: {  	[sflag:s23] =	ssyncset.done $0x0  }
0xa4: {  	s25 =	simm.s32 $0x1B8E;
	s24 =	sld [smem:$0x3FFE];
	[sflag:s23] =	ssyncadd.s32 $0xFFFFFFFF  }
0xa5: {  	s26 =	simm.s32 $execute0_lowered;
	[smem:$0x3FD2] =	sst s25  }
0xa6: {  	s5 =	sshll.u32 s26, $0x1;
	_ =	strace $0x80000049;
	[dreg:$0x1] =	wrdreg $0xFFFFFFFF  }
0xa7: {  	s28 =	simm.s32 $_size_execute0_lowered;
	s3 =	sadd.s32 s3, s5;
	[dreg:$0x0] =	wrdreg $0x0  }
0xa8: {  	s5 =	sshll.u32 s28, $0x1;
	[dreg:$0x2] =	wrdreg s3  }
0xa9: {  	[dreg:$0x3] =	wrdreg s5  }
0xaa: {  	[dreg:$0x4] =	wrdreg $0xC0  }
0xab: {  	_ =	task [dreg:s7], $0x5FFFF  }
0xac: {  	[dreg:$0x1] =	wrdreg $0xFFFFFFFF  }
0xad: {  	[dreg:$0x0] =	wrdreg $0x60  }
0xae: {  	[dreg:$0x2] =	wrdreg s24  }
0xaf: {  	[dreg:$0x3] =	wrdreg s2  }
0xb0: {  	[dreg:$0x4] =	wrdreg $0x41000  }
0xb1: {  	[dreg:$0x5] =	wrdreg $0x9  }
0xb2: {  	_ =	task.clear_ibuf [dreg:s7], $0x6FFFF;
	_ =	strace $0x90000049  }
0xb3: {  	s29 =	simm.s32 $0x9;
	_ =	strace $0x8000004B  }
0xb4: {  	_ =	swait.ge [sflag:s29], $0x1  }
0xb5: {  	[sflag:s29] =	ssyncadd.s32 $0xFFFFFFFF  }
0xb6: {  	_ =	strace $0x9000004B  }
0xb7: {  	_ =	sfence  }
0xb8: {  	s30 =	sld [smem:$0x0];
	_ =	sdelay $0x2  }
0xb9: {  	s31 =	sshll.u32 s1, $0xD;
	s1 =	sshrl.u32 s1, $0x2  }
0xba: {  	s3 =	sand.u32 $0x4000, s31;
	s1 =	sadd.s32 s1, s30  }
0xbb: {  	s0 =	sor.u32 s3, s0;
	s1 =	sshll.u32 s1, $0x11  }
0xbc: {  	s0 =	sor.u32 s1, s0  }
0xbd: {  	s0 =	sadd.s32 $0x8F2B, s0  }
0xbe: {  	[sflag:s0] =	ssyncadd.remote.s32 $0x1  }
0xbf: {  	_ =	sfence.sel $0xFFFF  }
0xc0: {  	[dreg:$0x0] =	wrdreg $0xFFFFFFFF;
	(pc) =	sbr.abs _section_cstart, $3  }
0xc1: {  	[dreg:$0x1] =	wrdreg $0xFFFFFFFF  }
0xc2: {  	_ =	task.clear_ibuf [dreg:s7], $0x2FFFF;
	_ =	strace $0x9FFFFFFF  }
0xc3: {  	(tm) =	ssettm $0x7FFFFFFF  }
tec
execute0_lowered:
.L_overlay_start_1:
0x0: {  	(tag) =	ssettag $0x1  }
0x1: {  	s6 =	rddreg [dreg:$0x0]  }
0x2: {  	s13 =	rddreg [dreg:$0x1]  }
0x3: {  	s2 =	rddreg [dreg:$0x2]  }
0x4: {  	s0 =	rddreg [dreg:$0x3];
	s3 =	simm.s32 $0x0;
	s1 =	stileid.u32  }
0x5: {  	s7 =	srdreg.scid;
	s19 =	simm.s32 $0x0;
	s5 =	smul.u32 $0x4E0, s1  }
0x6: {  	[smem:$0x7FF] =	sst s3;
	s4 =	sadd.s32 $0x8C00, s6;
	s10 =	smul.u32 $0x280, s1  }
0x7: {  	s7 =	sand.u32 $0x1, s7;
	s9 =	sadd.s32 $0xA8C00, s6;
	s25 =	smul.u32 $0x50000, s1  }
0x8: {  	s14 =	smin.u32 s1, $0x2;
	p0 =	slt.u32 s1, $0x2;
	s18 =	smul.u32 $0x2700, s1  }
0x9: {  	s28 =	sshll.u32 s1, $0x6;
	_ =	strace $0x8000004A;
	s15 =	smul.u32 $0x4E200, s7  }
0xa: {  	s8 =	ssub.s32 $0x2, s7;
	s16 =	smul.u32 $0x5000, s7;
	s7 =	sshllo.u32 s7, $0x1  }
0xb: {  	s29 =	sshll.u32 s14, $0x7;
	s30 =	sshll.u32 s14, $0x4;
	s11 =	sadd.s32 s5, s6  }
0xc: {  	s5 =	sadd.s32 $0x6400, s6;
	s24 =	sshrl.u32 s8, $0x1;
	s6 =	simm.s32 $0x4F  }
0xd: {  	s26 =	smul.u32 $0x2800, s7;
	s7 =	sor.u32 $0x1C02, s28;
	s12 =	ssub.s32 s8, s24  }
0xe: {  	s8 =	sshrl.u32 s25, $0x2;
	s6 =	simm.s32 @!p0 $0x4E;
	s16 =	sadd.s32 s10, s16  }
0xf: {  	s15 =	sadd.s32 s18, s15;
	s18 =	simm.s32 $0x1;
	s17 =	sadd.s32 s8, s2  }
0x10: {  	s16 =	sshll.u32 s16, $0x4;
	s8 =	sadd.s32 s10, s26;
	s15 =	sadd.s32 s29, s15  }
0x11: {  	s10 =	sshll.u32 s8, $0x4;
	s8 =	sadd.s32 s9, s16;
	s31 =	sadd.s32 $0x27100, s15  }
0x12: {  	s15 =	sshrl.u32 s15, $0x3;
	s16 =	simm.s32 $0x80;
	s9 =	sadd.s32 s9, s10  }
0x13: {  	s10 =	smax.u32 s12, $0x1;
	s12 =	sadd.s32 s30, s11;
	s14 =	sshrl.u32 s31, $0x3  }
0x14: {  	s11 =	sadd.s32 s15, s13;
	s15 =	simm.s32 $0x2;
	s12 =	sadd.s32 $0xC00, s12  }
0x15: {  	s13 =	sadd.s32 s14, s13;
	s14 =	sshrl.u32 s17, $0x3;
	s17 =	simm.s32 $0x100  }
.LBB2_1:
0x16: {  	[spmem:s14], [sflag:s7] =	dma.local [hbm:s5], $0x2800  }
0x17: {  	_ =	swait.ge [sflag:s15], $0x2800  }
0x18: {  	[sflag:s15] =	ssyncset.done $0x0  }
0x19: {  	[sflag:s15] =	ssyncadd.s32 $0xFFFFD800  }
0x1a: {  	[bflag:$0x0] =	sbarrier.arrive $0xFFFF  }
0x1b: {  	[tilespmem:s3], [sflag:$0x2] =	stream.linear.gather [hbm4b:s11+s3], $0x80, $0x38;
	[tilespmem:$0x18100] =	vst v63  }
0x1c: {  	_ =	swait.ge [sflag:s15], $0x80  }
0x1d: {  	[sflag:s15] =	ssyncset.done $0x0  }
0x1e: {  	[sflag:s15] =	ssyncadd.s32 $0xFFFFFF80  }
0x1f: {  	[tilespmem:s16], [sflag:$0x2] =	stream.linear.gather [hbm4b:s12+s3], $0x80, $0x38;
	[tilespmem:$0x18100] =	vst v63  }
0x20: {  	_ =	swait.ge [sflag:s15], $0x80  }
0x21: {  	[sflag:s15] =	ssyncset.done $0x0  }
0x22: {  	[sflag:s15] =	ssyncadd.s32 $0xFFFFFF80  }
0x23: {  	[tilespmem:s17], [sflag:$0x1] =	stream.indirect.gather [hbm4b:s4+s16], $0x80, s3, s16, $0xb8;
	[tilespmem:$0x18100] =	vst v63  }
0x24: {  	p0 =	sne.s32 s6, $0x1;
	_ =	swait.ge [sflag:s18], $0x4000  }
.Ltmp0:
0x25: {  	[sflag:s18] =	ssyncset.done $0x0;
	(pc) =	sbr.rel @!p0 .LBB2_3-.Ltmp0, $4  }
0x26: {  	[sflag:s18] =	ssyncadd.s32 $0xFFFFC000  }
0x27: {  	[spmem:s2] =	stream.indirect.scatter.add.f32 [tilespmem:s17], [sflag:$0x2], $0x80, s16, s16, $0xb8;
	[tilespmem:$0x18100] =	vst v63  }
0x28: {  	s20 =	sadd.s32 $0xFFFFFFFF, s6;
	_ =	swait.ge [sflag:s15], $0x4000  }
0x29: {  	s21 =	smov.u32 s11;
	s22 =	smov.u32 s12;
	[sflag:s15] =	ssyncset.done $0x0  }
.LBB2_2:
0x2a: {  	[sflag:s15] =	ssyncadd.s32 $0xFFFFC000;
	s21 =	sadd.s32 $0x10, s21;
	s22 =	sadd.s32 $0x10, s22  }
0x2b: {  	[tilespmem:s3], [sflag:$0x2] =	stream.linear.gather [hbm4b:s21+s3], $0x80, $0x38;
	[tilespmem:$0x18100] =	vst v63  }
0x2c: {  	p1 =	sne.s32 s20, $0x1;
	s20 =	sadd.s32 $0xFFFFFFFF, s20;
	_ =	swait.ge [sflag:s15], $0x80  }
0x2d: {  	[sflag:s15] =	ssyncset.done $0x0  }
0x2e: {  	[sflag:s15] =	ssyncadd.s32 $0xFFFFFF80  }
0x2f: {  	[tilespmem:s16], [sflag:$0x2] =	stream.linear.gather [hbm4b:s22+s3], $0x80, $0x38;
	[tilespmem:$0x18100] =	vst v63  }
0x30: {  	_ =	swait.ge [sflag:s15], $0x80  }
0x31: {  	[sflag:s15] =	ssyncset.done $0x0  }
0x32: {  	[sflag:s15] =	ssyncadd.s32 $0xFFFFFF80  }
0x33: {  	[tilespmem:s17], [sflag:$0x1] =	stream.indirect.gather [hbm4b:s4+s16], $0x80, s3, s16, $0xb8;
	[tilespmem:$0x18100] =	vst v63  }
0x34: {  	_ =	swait.ge [sflag:s18], $0x4000  }
.Ltmp1:
0x35: {  	[sflag:s18] =	ssyncset.done $0x0;
	(pc) =	sbr.rel @p1 .LBB2_2-.Ltmp1, $4  }
0x36: {  	[sflag:s18] =	ssyncadd.s32 $0xFFFFC000  }
0x37: {  	[spmem:s2] =	stream.indirect.scatter.add.f32 [tilespmem:s17], [sflag:$0x2], $0x80, s16, s16, $0xb8;
	[tilespmem:$0x18100] =	vst v63  }
0x38: {  	_ =	swait.ge [sflag:s15], $0x4000  }
0x39: {  	[sflag:s15] =	ssyncset.done $0x0  }
.LBB2_3:
0x3a: {  	[sflag:s15] =	ssyncadd.s32 $0xFFFFC000  }
0x3b: {  	[bflag:$0x0] =	sbarrier.arrive $0xFFFF  }
0x3c: {  	[hbm:s8], [sflag:s7] =	dma.local [spmem:s14], $0x2800  }
0x3d: {  	_ =	swait.ge [sflag:s15], $0x2800  }
0x3e: {  	[sflag:s15] =	ssyncset.done $0x0  }
0x3f: {  	[sflag:s15] =	ssyncadd.s32 $0xFFFFD800  }
0x40: {  	[bflag:$0x0] =	sbarrier.arrive $0xFFFF  }
0x41: {  	[spmem:s14], [sflag:s7] =	dma.local [hbm:s5], $0x2800  }
0x42: {  	_ =	swait.ge [sflag:s15], $0x2800  }
0x43: {  	[sflag:s15] =	ssyncset.done $0x0  }
0x44: {  	[sflag:s15] =	ssyncadd.s32 $0xFFFFD800  }
0x45: {  	[bflag:$0x0] =	sbarrier.arrive $0xFFFF  }
0x46: {  	[tilespmem:s3], [sflag:$0x2] =	stream.linear.gather [hbm4b:s13+s3], $0x80, $0x38;
	[tilespmem:$0x18100] =	vst v63  }
0x47: {  	_ =	swait.ge [sflag:s15], $0x80  }
0x48: {  	[sflag:s15] =	ssyncset.done $0x0  }
0x49: {  	[sflag:s15] =	ssyncadd.s32 $0xFFFFFF80  }
0x4a: {  	[tilespmem:s16], [sflag:$0x2] =	stream.linear.gather [hbm4b:s12+s3], $0x80, $0x38;
	[tilespmem:$0x18100] =	vst v63  }
0x4b: {  	_ =	swait.ge [sflag:s15], $0x80  }
0x4c: {  	[sflag:s15] =	ssyncset.done $0x0  }
0x4d: {  	[sflag:s15] =	ssyncadd.s32 $0xFFFFFF80  }
0x4e: {  	[tilespmem:s17], [sflag:$0x1] =	stream.indirect.gather [hbm4b:s4+s16], $0x80, s3, s16, $0xb8;
	[tilespmem:$0x18100] =	vst v63  }
0x4f: {  	_ =	swait.ge [sflag:s18], $0x4000  }
.Ltmp2:
0x50: {  	[sflag:s18] =	ssyncset.done $0x0;
	(pc) =	sbr.rel @!p0 .LBB2_5-.Ltmp2, $4  }
0x51: {  	[sflag:s18] =	ssyncadd.s32 $0xFFFFC000  }
0x52: {  	[spmem:s2] =	stream.indirect.scatter.add.f32 [tilespmem:s17], [sflag:$0x2], $0x80, s16, s16, $0xb8;
	[tilespmem:$0x18100] =	vst v63  }
0x53: {  	s20 =	sadd.s32 $0xFFFFFFFF, s6;
	_ =	swait.ge [sflag:s15], $0x4000  }
0x54: {  	s21 =	smov.u32 s13;
	s22 =	smov.u32 s12;
	[sflag:s15] =	ssyncset.done $0x0  }
.LBB2_4:
0x55: {  	[sflag:s15] =	ssyncadd.s32 $0xFFFFC000;
	s21 =	sadd.s32 $0x10, s21;
	s22 =	sadd.s32 $0x10, s22  }
0x56: {  	[tilespmem:s3], [sflag:$0x2] =	stream.linear.gather [hbm4b:s21+s3], $0x80, $0x38;
	[tilespmem:$0x18100] =	vst v63  }
0x57: {  	p0 =	sne.s32 s20, $0x1;
	s20 =	sadd.s32 $0xFFFFFFFF, s20;
	_ =	swait.ge [sflag:s15], $0x80  }
0x58: {  	[sflag:s15] =	ssyncset.done $0x0  }
0x59: {  	[sflag:s15] =	ssyncadd.s32 $0xFFFFFF80  }
0x5a: {  	[tilespmem:s16], [sflag:$0x2] =	stream.linear.gather [hbm4b:s22+s3], $0x80, $0x38;
	[tilespmem:$0x18100] =	vst v63  }
0x5b: {  	_ =	swait.ge [sflag:s15], $0x80  }
0x5c: {  	[sflag:s15] =	ssyncset.done $0x0  }
0x5d: {  	[sflag:s15] =	ssyncadd.s32 $0xFFFFFF80  }
0x5e: {  	[tilespmem:s17], [sflag:$0x1] =	stream.indirect.gather [hbm4b:s4+s16], $0x80, s3, s16, $0xb8;
	[tilespmem:$0x18100] =	vst v63  }
0x5f: {  	_ =	swait.ge [sflag:s18], $0x4000  }
.Ltmp3:
0x60: {  	[sflag:s18] =	ssyncset.done $0x0;
	(pc) =	sbr.rel @p0 .LBB2_4-.Ltmp3, $4  }
0x61: {  	[sflag:s18] =	ssyncadd.s32 $0xFFFFC000  }
0x62: {  	[spmem:s2] =	stream.indirect.scatter.add.f32 [tilespmem:s17], [sflag:$0x2], $0x80, s16, s16, $0xb8;
	[tilespmem:$0x18100] =	vst v63  }
0x63: {  	_ =	swait.ge [sflag:s15], $0x4000  }
0x64: {  	[sflag:s15] =	ssyncset.done $0x0  }
.LBB2_5:
0x65: {  	[sflag:s15] =	ssyncadd.s32 $0xFFFFC000;
	s19 =	sadd.s32 $0x1, s19  }
0x66: {  	[bflag:$0x0] =	sbarrier.arrive $0xFFFF;
	p0 =	sne.s32 s19, s10  }
0x67: {  	[hbm:s9], [sflag:s7] =	dma.local [spmem:s14], $0x2800  }
.Ltmp4:
0x68: {  	_ =	swait.ge [sflag:s15], $0x2800;
	(pc) =	sbr.rel @p0 .LBB2_1-.Ltmp4, $3  }
0x69: {  	[sflag:s15] =	ssyncset.done $0x0  }
0x6a: {  	[sflag:s15] =	ssyncadd.s32 $0xFFFFD800  }
0x6b: {  	[bflag:$0x0] =	sbarrier.arrive $0xFFFF;
	_ =	sdelay $0x1  }
0x6c: {  	_ =	sfence.sel $0x180000  }
0x6d: {  	[bflag:$0x0] =	sbarrier.arrive $0xFFFF  }
0x6e: {  	p0 =	sne.s32 s1, $0x0;
	_ =	strace $0x9000004A  }
0x6f: {  	s0 =	sadd.s32 @!p0 $0x100000, s0;
	[bflag:$0x2] =	sbarrier.arrive $0xFFFF  }
0x70: {  	[sflag:s0] =	ssyncadd.tile.s32 @!p0 $0x1;
	_ =	shalt  }
.Lfunc_end2:
_tile_overlayer_lowered:
.L_overlay_start_2:
0x71: {  	(tag) =	ssettag $0x2  }
0x72: {  	s0 =	rddreg [dreg:$0x0];
	s2 =	stileid.u32  }
0x73: {  	s1 =	rddreg [dreg:$0x1];
	p0 =	sne.s32 s2, $0x0  }
0x74: {  	s3 =	rddreg [dreg:$0x2];
	[bflag:$0x3] =	sbarrier.arrive $0xFFFF;
	s2 =	simm.s32 @!p0 $0x1C02  }
0x75: {  	[timem:s3], [sflag:s2] =	dma.local @!p0 [hbm:s0], s1  }
0x76: {  	s0 =	simm.s32 @!p0 $0x2  }
0x77: {  	_ =	swait.ge @!p0 [sflag:s0], s1  }
0x78: {  	s1 =	ssub.s32 @!p0 $0x0, s1;
	[sflag:s0] =	ssyncset.done @!p0 $0x0  }
0x79: {  	[sflag:s0] =	ssyncadd.s32 @!p0 s1  }
0x7a: {  	[bflag:$0x3] =	sbarrier.arrive $0xFFFF  }
0x7b: {  	_ =	shalt  }

// kernel: kernel.14.cloned.1.call-start
scs
__scs_entry_jumppad:
0x0: {  	(pc) =	sbr.rel $0x88, $3  }
0x1: {  	(tag) =	ssettag $0x0;
	lr =	simm.s32 $0x1  }
0x2: {  	[smem:$0x3F9B] =	sst lr;
	_ =	strace $0xD0000000  }
0x3: {  	_ = 	snop  }
0x4: {  	_ = 	snop  }
0x5: {  	_ = 	snop  }
0x6: {  	_ = 	snop  }
0x7: {  	_ = 	snop  }
__scs_overlays_trampoline_lowered:
0x8: {  	[smem:$0x3FAA] =	sst s0  }
0x9: {  	[smem:$0x3FAB] =	sst s1  }
0xa: {  	[smem:$0x3FAC] =	sst s2  }
0xb: {  	[smem:$0x3FAD] =	sst s3  }
0xc: {  	[smem:$0x3FAE] =	sst s4  }
0xd: {  	[smem:$0x3FAF] =	sst s5  }
0xe: {  	[smem:$0x3FB0] =	sst s6  }
0xf: {  	[smem:$0x3FB1] =	sst s7  }
0x10: {  	[smem:$0x3FB2] =	sst s8  }
0x11: {  	[smem:$0x3FB3] =	sst s9;
	s0 =	simm.s32 @!p0 $0x0  }
0x12: {  	s1 =	sld [smem:$0x3F99];
	s0 =	simm.s32 @p0 $0x1  }
0x13: {  	[smem:$0x3FB4] =	sst s0;
	s0 =	simm.s32 @!p1 $0x0  }
0x14: {  	s2 =	sld [smem:$0x3F98];
	s0 =	simm.s32 @p1 $0x1  }
0x15: {  	[smem:$0x3FB5] =	sst s0;
	s0 =	simm.s32 @!p2 $0x0  }
0x16: {  	s3 =	sld [smem:$0x3FDB];
	s0 =	simm.s32 @p2 $0x1  }
0x17: {  	s4 =	simm.s32 $0x1BF5;
	[smem:$0x3FB7] =	sst s0  }
0x18: {  	s0 =	sld [smem:$0x3F9A];
	_ =	swait.ge [sflag:s4], $0x0  }
0x19: {  	s7 =	sld [smem:$0x3F9B]  }
0x1a: {  	s8 =	sadd.s32 $0xFFFFE003, lr  }
0x1b: {  	s9 =	sadd.s32 $0xFFFFFEF7, lr;
	s5 =	simm.s32 $0xFFFFFFFF;
	p2 =	slt.u32 s8, $0xFFFFF086  }
0x1c: {  	p1 =	slt.u32 s9, $0xF7A;
	s5 =	simm.s32 @!p2 $0x0  }
0x1d: {  	s5 =	simm.s32 @p1 $0x1;
	p0 =	seq.s32 s7, s2  }
0x1e: {  	s7 =	smul.u32 @!p0 $0xF7A, s2;
	p2 =	seq.s32 @!p0 s5, $0x0  }
0x1f: {  	s9 =	smul.u32 $0xF7A, s1;
	s8 =	simm.s32 @!p0 $0x1BF5;
	p2 =	por !p2, p0  }
0x20: {  	[sflag:s8] =	ssyncset.s32 @!p0 $0xFFFFF086;
	s6 =	sadd.s32 @!p0 s3, s7;
	s7 =	simm.s32 @!p0 $0x108  }
0x21: {  	s3 =	sadd.s32 s3, s9;
	s6 =	sadd.s32 @!p0 $0x88, s6;
	s7 =	simm.s32 @p2 $0x1082  }
0x22: {  	[simem:s7], [sflag:s8] =	dma.local @!p0 [hbm:s6], $0xF7A  }
0x23: {  	s9 =	sor.u32 $0xD0000000, s2;
	s6 =	simm.s32 $0x108;
	_ =	swait.ge @!p0 [sflag:s8], $0x0  }
0x24: {  	s3 =	sadd.s32 $0x88, s3;
	s6 =	simm.s32 @!p1 $0x1082;
	[sflag:s4] =	ssyncset.s32 $0xFFFFF086  }
0x25: {  	[simem:s6], [sflag:s4] =	dma.local [hbm:s3], $0xF7A  }
0x26: {  	[smem:$0x3F9B] =	sst s1;
	(tag) =	ssettag s2;
	_ =	strace s9  }
0x27: {  	s1 =	sld [smem:$0x3FAB]  }
0x28: {  	s2 =	sld [smem:$0x3FAC]  }
0x29: {  	s4 =	sld [smem:$0x3FAE]  }
0x2a: {  	p0 =	seq.s32 s5, $0x0;
	s5 =	sld [smem:$0x3FAF]  }
0x2b: {  	s6 =	sld [smem:$0x3FB0]  }
0x2c: {  	s7 =	sld [smem:$0x3FB1]  }
0x2d: {  	s3 =	simm.s32 $0x108;
	s8 =	sld [smem:$0x3FB2]  }
0x2e: {  	s3 =	simm.s32 @!p0 $0x1082;
	s9 =	sld [smem:$0x3FB3]  }
0x2f: {  	lr =	sadd.s32 s0, s3;
	s0 =	sld [smem:$0x3FAA]  }
0x30: {  	s3 =	sld [smem:$0x3FAD]  }
0x31: {  	[smem:$0x3FB6] =	sst s10  }
0x32: {  	s10 =	sld [smem:$0x3FB4];
	_ =	sdelay $0x3  }
0x33: {  	p0 =	seq.s32 s10, $0x1;
	s10 =	sld [smem:$0x3FB6];
	_ =	sdelay $0x3  }
0x34: {  	[smem:$0x3FB6] =	sst s10  }
0x35: {  	s10 =	sld [smem:$0x3FB5];
	_ =	sdelay $0x3  }
0x36: {  	p1 =	seq.s32 s10, $0x1;
	s10 =	sld [smem:$0x3FB6];
	_ =	sdelay $0x3  }
0x37: {  	[smem:$0x3FB6] =	sst s10  }
0x38: {  	s10 =	sld [smem:$0x3FB7]  }
0x39: {  	_ = 	snop;
	(pc) =	sbr.ind lr, $3  }
0x3a: {  	_ = 	snop  }
0x3b: {  	_ = 	snop  }
0x3c: {  	p2 =	seq.s32 s10, $0x1;
	s10 =	sld [smem:$0x3FB6]  }
0x3d: {  	_ =	shalt  }
0x3e: {  	_ =	shalt  }
0x3f: {  	_ =	shalt  }
0x40: {  	_ =	shalt  }
0x41: {  	_ =	shalt  }
0x42: {  	_ =	shalt  }
0x43: {  	_ =	shalt  }
0x44: {  	_ =	shalt  }
0x45: {  	_ =	shalt  }
0x46: {  	_ =	shalt  }
0x47: {  	_ =	shalt  }
0x48: {  	_ =	shalt  }
0x49: {  	_ =	shalt  }
0x4a: {  	_ =	shalt  }
0x4b: {  	_ =	shalt  }
0x4c: {  	_ =	shalt  }
0x4d: {  	_ =	shalt  }
0x4e: {  	_ =	shalt  }
0x4f: {  	_ =	shalt  }
0x50: {  	_ =	shalt  }
0x51: {  	_ =	shalt  }
0x52: {  	_ =	shalt  }
0x53: {  	_ =	shalt  }
0x54: {  	_ =	shalt  }
0x55: {  	_ =	shalt  }
0x56: {  	_ =	shalt  }
0x57: {  	_ =	shalt  }
0x58: {  	_ =	shalt  }
0x59: {  	_ =	shalt  }
0x5a: {  	_ =	shalt  }
0x5b: {  	_ =	shalt  }
0x5c: {  	_ =	shalt  }
0x5d: {  	_ =	shalt  }
0x5e: {  	_ =	shalt  }
0x5f: {  	_ =	shalt  }
0x60: {  	_ =	shalt  }
0x61: {  	_ =	shalt  }
0x62: {  	_ =	shalt  }
0x63: {  	_ =	shalt  }
0x64: {  	_ =	shalt  }
0x65: {  	_ =	shalt  }
0x66: {  	_ =	shalt  }
0x67: {  	_ =	shalt  }
0x68: {  	_ =	shalt  }
0x69: {  	_ =	shalt  }
0x6a: {  	_ =	shalt  }
0x6b: {  	_ =	shalt  }
0x6c: {  	_ =	shalt  }
0x6d: {  	_ =	shalt  }
0x6e: {  	_ =	shalt  }
0x6f: {  	_ =	shalt  }
0x70: {  	_ =	shalt  }
0x71: {  	_ =	shalt  }
0x72: {  	_ =	shalt  }
0x73: {  	_ =	shalt  }
0x74: {  	_ =	shalt  }
0x75: {  	_ =	shalt  }
0x76: {  	_ =	shalt  }
0x77: {  	_ =	shalt  }
0x78: {  	_ =	shalt  }
0x79: {  	_ =	shalt  }
0x7a: {  	_ =	shalt  }
0x7b: {  	_ =	shalt  }
0x7c: {  	_ =	shalt  }
0x7d: {  	_ =	shalt  }
0x7e: {  	_ =	shalt  }
0x7f: {  	_ =	shalt  }
0x80: {  	_ =	shalt  }
0x81: {  	_ =	shalt  }
0x82: {  	_ =	shalt  }
0x83: {  	_ =	shalt  }
0x84: {  	_ =	shalt  }
0x85: {  	_ =	shalt  }
0x86: {  	_ =	shalt  }
0x87: {  	_ =	shalt  }
.Lfunc_end0:
.L_simem_size_0:
called_computation.2_lowered:
.L_overlay_start_0:
0x88: {  	s2 =	sld [smem:$0x3FD9]  }
0x89: {  	s3 =	sld [smem:$0x3FFE];
	_ =	sdelay $0x1  }
0x8a: {  	s1 =	srdreg.scid  }
0x8b: {  	s0 =	sand.u32 $0x1, s1  }
0x8c: {  	s16 =	sshll.u32 s0, $0xA;
	s2 =	sadd.s32 s3, s2  }
0x8d: {  	s2 =	sadd.s32 s2, s16  }
0x8e: {  	[smem:$0x3FC2] =	sst s2  }
0x8f: {  	_ = 	snop  }
0x90: {  	(tm) =	ssettm $0x1  }
0x91: {  	s17 =	sld [smem:$0x3FFB];
	_ =	sdelay $0x3  }
0x92: {  	_ =	strace s17  }
0x93: {  	s2 =	sld [smem:$0x3FFC];
	_ =	sdelay $0x3  }
0x94: {  	_ =	strace s2  }
0x95: {  	s2 =	sld [smem:$0x3FFD];
	_ =	sdelay $0x3  }
0x96: {  	_ =	strace s2  }
0x97: {  	_ =	strace $0x8FFFFFFF  }
0x98: {  	s18 =	sld [smem:$0x3FDB];
	_ =	sdelay $0x1  }
0x99: {  	s19 =	simm.s32 $_scs_section_size  }
0x9a: {  	s4 =	simm.s32 $_size__tile_overlayer_lowered;
	s5 =	simm.s32 $_tile_overlayer_lowered  }
0x9b: {  	s22 =	simm.s32 $0x1BFF;
	s21 =	sshll.u32 s5, $0x1;
	s2 =	sadd.s32 s19, s18  }
0x9c: {  	s6 =	simm.s32 $0x0;
	s20 =	sshll.u32 s4, $0x1;
	s4 =	sadd.s32 s21, s2  }
0x9d: {  	[timem:s6], [sflag:s22] =	dma.local [hbm:s4], s20  }
0x9e: {  	_ =	swait.ge [sflag:s22], s20  }
0x9f: {  	s3 =	ssub.s32 $0x0, s20;
	[sflag:s22] =	ssyncset.done $0x0  }
0xa0: {  	[sflag:s22] =	ssyncadd.s32 s3;
	_ =	sdelay $0x1  }
0xa1: {  	s23 =	simm.s32 $0x1B8B  }
0xa2: {  	_ =	swait.ge [sflag:s23], $0x1  }
0xa3: {  	[sflag:s23] =	ssyncset.done $0x0  }
0xa4: {  	s25 =	simm.s32 $0x1B8E;
	s24 =	sld [smem:$0x3FFE];
	[sflag:s23] =	ssyncadd.s32 $0xFFFFFFFF  }
0xa5: {  	s26 =	simm.s32 $execute0_lowered;
	[smem:$0x3FD2] =	sst s25  }
0xa6: {  	s4 =	sshll.u32 s26, $0x1;
	_ =	strace $0x8000004C;
	[dreg:$0x1] =	wrdreg $0xFFFFFFFF  }
0xa7: {  	s28 =	simm.s32 $_size_execute0_lowered;
	s2 =	sadd.s32 s2, s4;
	[dreg:$0x0] =	wrdreg $0x0  }
0xa8: {  	s4 =	sshll.u32 s28, $0x1;
	[dreg:$0x2] =	wrdreg s2  }
0xa9: {  	[dreg:$0x3] =	wrdreg s4  }
0xaa: {  	[dreg:$0x4] =	wrdreg $0xC0  }
0xab: {  	_ =	task [dreg:s6], $0x5FFFF  }
0xac: {  	[dreg:$0x1] =	wrdreg $0xFFFFFFFF  }
0xad: {  	[dreg:$0x0] =	wrdreg $0x60  }
0xae: {  	[dreg:$0x2] =	wrdreg s24  }
0xaf: {  	[dreg:$0x3] =	wrdreg $0x41000  }
0xb0: {  	[dreg:$0x4] =	wrdreg $0x9  }
0xb1: {  	_ =	task.clear_ibuf [dreg:s6], $0x5FFFF;
	_ =	strace $0x9000004C  }
0xb2: {  	s29 =	simm.s32 $0x9;
	_ =	strace $0x8000004E  }
0xb3: {  	_ =	swait.ge [sflag:s29], $0x1  }
0xb4: {  	[sflag:s29] =	ssyncadd.s32 $0xFFFFFFFF  }
0xb5: {  	_ =	strace $0x9000004E  }
0xb6: {  	_ =	sfence  }
0xb7: {  	s30 =	sld [smem:$0x0];
	_ =	sdelay $0x2  }
0xb8: {  	s31 =	sshll.u32 s1, $0xD;
	s1 =	sshrl.u32 s1, $0x2  }
0xb9: {  	s3 =	sand.u32 $0x4000, s31;
	s1 =	sadd.s32 s1, s30  }
0xba: {  	s0 =	sor.u32 s3, s0;
	s1 =	sshll.u32 s1, $0x11  }
0xbb: {  	s0 =	sor.u32 s1, s0  }
0xbc: {  	s0 =	sadd.s32 $0x8F2B, s0  }
0xbd: {  	[sflag:s0] =	ssyncadd.remote.s32 $0x1  }
0xbe: {  	_ =	sfence.sel $0xFFFF  }
0xbf: {  	[dreg:$0x0] =	wrdreg $0xFFFFFFFF;
	(pc) =	sbr.abs _section_cstart, $3  }
0xc0: {  	[dreg:$0x1] =	wrdreg $0xFFFFFFFF  }
0xc1: {  	_ =	task.clear_ibuf [dreg:s6], $0x2FFFF;
	_ =	strace $0x9FFFFFFF  }
0xc2: {  	(tm) =	ssettm $0x7FFFFFFF  }
0xc3: {  	_ =	shalt  }
tec
execute0_lowered:
.L_overlay_start_1:
0x0: {  	(tag) =	ssettag $0x1  }
0x1: {  	s0 =	srdreg.scid  }
0x2: {  	s6 =	rddreg [dreg:$0x0];
	s7 =	sand.u32 $0x1, s0  }
0x3: {  	s0 =	stileid.u32;
	s3 =	smul.u32 $0x27100, s7  }
0x4: {  	s2 =	rddreg [dreg:$0x1];
	s4 =	smul.u32 $0x2700, s0  }
0x5: {  	s1 =	rddreg [dreg:$0x2];
	s9 =	smul.u32 $0x4E0, s0  }
0x6: {  	s15 =	simm.s32 $0x100;
	s16 =	simm.s32 $0x1;
	s10 =	smul.u32 $0x2800, s0  }
0x7: {  	s17 =	simm.s32 $0x0;
	s8 =	smin.u32 s0, $0x2;
	s11 =	smul.u32 $0x28000, s7  }
0x8: {  	s7 =	ssub.s32 $0x2, s7;
	s28 =	smul.u32 $0x50000, s0;
	p0 =	slt.u32 s0, $0x2  }
0x9: {  	s30 =	sshll.u32 s0, $0x6;
	s5 =	sshll.u32 s8, $0x7;
	s13 =	sshrl.u32 s7, $0x1  }
0xa: {  	s31 =	sshll.u32 s8, $0x4;
	s4 =	sadd.s32 s4, s3;
	s3 =	simm.s32 $0x0  }
0xb: {  	s9 =	sadd.s32 s9, s6;
	s10 =	sadd.s32 s10, s11;
	s13 =	ssub.s32 s7, s13  }
0xc: {  	s29 =	sshrl.u32 s28, $0x2;
	s7 =	sor.u32 $0x1C02, s30;
	s4 =	sadd.s32 s5, s4  }
0xd: {  	[smem:$0x7FF] =	sst s3;
	s10 =	sadd.s32 s10, s6;
	s14 =	sadd.s32 s29, s2  }
0xe: {  	s11 =	sadd.s32 s31, s9;
	s9 =	smax.u32 s13, $0x1;
	s13 =	simm.s32 $0x2  }
0xf: {  	s5 =	sshrl.u32 s4, $0x3;
	_ =	strace $0x8000004D;
	s4 =	sadd.s32 $0x8C00, s6  }
0x10: {  	s12 =	sadd.s32 s5, s6;
	s5 =	sadd.s32 $0x6400, s6;
	s6 =	simm.s32 $0x4F  }
0x11: {  	s8 =	sadd.s32 $0x58C00, s10;
	s11 =	sadd.s32 $0xC00, s11;
	s6 =	simm.s32 @!p0 $0x4E  }
0x12: {  	s10 =	sadd.s32 $0x148C00, s12;
	s12 =	sshrl.u32 s14, $0x3;
	s14 =	simm.s32 $0x80  }
.LBB2_1:
0x13: {  	[spmem:s12], [sflag:s7] =	dma.local [hbm:s5], $0x2800  }
0x14: {  	_ =	swait.ge [sflag:s13], $0x2800  }
0x15: {  	[sflag:s13] =	ssyncset.done $0x0  }
0x16: {  	[sflag:s13] =	ssyncadd.s32 $0xFFFFD800  }
0x17: {  	[bflag:$0x0] =	sbarrier.arrive $0xFFFF  }
0x18: {  	[tilespmem:s3], [sflag:$0x2] =	stream.linear.gather [hbm4b:s10+s3], $0x80, $0x38;
	[tilespmem:$0x18100] =	vst v63  }
0x19: {  	_ =	swait.ge [sflag:s13], $0x80  }
0x1a: {  	[sflag:s13] =	ssyncset.done $0x0  }
0x1b: {  	[sflag:s13] =	ssyncadd.s32 $0xFFFFFF80  }
0x1c: {  	[tilespmem:s14], [sflag:$0x2] =	stream.linear.gather [hbm4b:s11+s3], $0x80, $0x38;
	[tilespmem:$0x18100] =	vst v63  }
0x1d: {  	_ =	swait.ge [sflag:s13], $0x80  }
0x1e: {  	[sflag:s13] =	ssyncset.done $0x0  }
0x1f: {  	[sflag:s13] =	ssyncadd.s32 $0xFFFFFF80  }
0x20: {  	[tilespmem:s15], [sflag:$0x1] =	stream.indirect.gather [hbm4b:s4+s14], $0x80, s3, s14, $0xb8;
	[tilespmem:$0x18100] =	vst v63  }
0x21: {  	p0 =	sne.s32 s6, $0x1;
	_ =	swait.ge [sflag:s16], $0x4000  }
.Ltmp0:
0x22: {  	[sflag:s16] =	ssyncset.done $0x0;
	(pc) =	sbr.rel @!p0 .LBB2_3-.Ltmp0, $4  }
0x23: {  	[sflag:s16] =	ssyncadd.s32 $0xFFFFC000  }
0x24: {  	[spmem:s2] =	stream.indirect.scatter.add.f32 [tilespmem:s15], [sflag:$0x2], $0x80, s14, s14, $0xb8;
	[tilespmem:$0x18100] =	vst v63  }
0x25: {  	s18 =	sadd.s32 $0xFFFFFFFF, s6;
	_ =	swait.ge [sflag:s13], $0x4000  }
0x26: {  	s19 =	smov.u32 s10;
	s20 =	smov.u32 s11;
	[sflag:s13] =	ssyncset.done $0x0  }
.LBB2_2:
0x27: {  	[sflag:s13] =	ssyncadd.s32 $0xFFFFC000;
	s19 =	sadd.s32 $0x10, s19;
	s20 =	sadd.s32 $0x10, s20  }
0x28: {  	[tilespmem:s3], [sflag:$0x2] =	stream.linear.gather [hbm4b:s19+s3], $0x80, $0x38;
	[tilespmem:$0x18100] =	vst v63  }
0x29: {  	p0 =	sne.s32 s18, $0x1;
	s18 =	sadd.s32 $0xFFFFFFFF, s18;
	_ =	swait.ge [sflag:s13], $0x80  }
0x2a: {  	[sflag:s13] =	ssyncset.done $0x0  }
0x2b: {  	[sflag:s13] =	ssyncadd.s32 $0xFFFFFF80  }
0x2c: {  	[tilespmem:s14], [sflag:$0x2] =	stream.linear.gather [hbm4b:s20+s3], $0x80, $0x38;
	[tilespmem:$0x18100] =	vst v63  }
0x2d: {  	_ =	swait.ge [sflag:s13], $0x80  }
0x2e: {  	[sflag:s13] =	ssyncset.done $0x0  }
0x2f: {  	[sflag:s13] =	ssyncadd.s32 $0xFFFFFF80  }
0x30: {  	[tilespmem:s15], [sflag:$0x1] =	stream.indirect.gather [hbm4b:s4+s14], $0x80, s3, s14, $0xb8;
	[tilespmem:$0x18100] =	vst v63  }
0x31: {  	_ =	swait.ge [sflag:s16], $0x4000  }
.Ltmp1:
0x32: {  	[sflag:s16] =	ssyncset.done $0x0;
	(pc) =	sbr.rel @p0 .LBB2_2-.Ltmp1, $4  }
0x33: {  	[sflag:s16] =	ssyncadd.s32 $0xFFFFC000  }
0x34: {  	[spmem:s2] =	stream.indirect.scatter.add.f32 [tilespmem:s15], [sflag:$0x2], $0x80, s14, s14, $0xb8;
	[tilespmem:$0x18100] =	vst v63  }
0x35: {  	_ =	swait.ge [sflag:s13], $0x4000  }
0x36: {  	[sflag:s13] =	ssyncset.done $0x0  }
.LBB2_3:
0x37: {  	[sflag:s13] =	ssyncadd.s32 $0xFFFFC000;
	s17 =	sadd.s32 $0x1, s17  }
0x38: {  	[bflag:$0x0] =	sbarrier.arrive $0xFFFF;
	p0 =	sne.s32 s17, s9  }
0x39: {  	[hbm:s8], [sflag:s7] =	dma.local [spmem:s12], $0x2800  }
.Ltmp2:
0x3a: {  	_ =	swait.ge [sflag:s13], $0x2800;
	(pc) =	sbr.rel @p0 .LBB2_1-.Ltmp2, $3  }
0x3b: {  	[sflag:s13] =	ssyncset.done $0x0  }
0x3c: {  	[sflag:s13] =	ssyncadd.s32 $0xFFFFD800  }
0x3d: {  	[bflag:$0x0] =	sbarrier.arrive $0xFFFF;
	_ =	sdelay $0x1  }
0x3e: {  	_ =	sfence.sel $0x180000  }
0x3f: {  	[bflag:$0x0] =	sbarrier.arrive $0xFFFF  }
0x40: {  	p0 =	sne.s32 s0, $0x0;
	_ =	strace $0x9000004D  }
0x41: {  	s0 =	sadd.s32 @!p0 $0x100000, s1;
	[bflag:$0x2] =	sbarrier.arrive $0xFFFF  }
0x42: {  	[sflag:s0] =	ssyncadd.tile.s32 @!p0 $0x1;
	_ =	shalt  }
.Lfunc_end2:
_tile_overlayer_lowered:
.L_overlay_start_2:
0x43: {  	(tag) =	ssettag $0x2  }
0x44: {  	s0 =	rddreg [dreg:$0x0];
	s2 =	stileid.u32  }
0x45: {  	s1 =	rddreg [dreg:$0x1];
	p0 =	sne.s32 s2, $0x0  }
0x46: {  	s3 =	rddreg [dreg:$0x2];
	[bflag:$0x3] =	sbarrier.arrive $0xFFFF;
	s2 =	simm.s32 @!p0 $0x1C02  }
0x47: {  	[timem:s3], [sflag:s2] =	dma.local @!p0 [hbm:s0], s1  }
0x48: {  	s0 =	simm.s32 @!p0 $0x2  }
0x49: {  	_ =	swait.ge @!p0 [sflag:s0], s1  }
0x4a: {  	s1 =	ssub.s32 @!p0 $0x0, s1;
	[sflag:s0] =	ssyncset.done @!p0 $0x0  }
0x4b: {  	[sflag:s0] =	ssyncadd.s32 @!p0 s1  }
0x4c: {  	[bflag:$0x3] =	sbarrier.arrive $0xFFFF  }
0x4d: {  	_ =	shalt  }

// kernel: kernel.8.cloned.1.call-start
scs
__scs_entry_jumppad:
0x0: {  	(pc) =	sbr.rel $0x88, $3  }
0x1: {  	(tag) =	ssettag $0x0;
	lr =	simm.s32 $0x1  }
0x2: {  	[smem:$0x3F9B] =	sst lr;
	_ =	strace $0xD0000000  }
0x3: {  	_ = 	snop  }
0x4: {  	_ = 	snop  }
0x5: {  	_ = 	snop  }
0x6: {  	_ = 	snop  }
0x7: {  	_ = 	snop  }
__scs_overlays_trampoline_lowered:
0x8: {  	[smem:$0x3FAA] =	sst s0  }
0x9: {  	[smem:$0x3FAB] =	sst s1  }
0xa: {  	[smem:$0x3FAC] =	sst s2  }
0xb: {  	[smem:$0x3FAD] =	sst s3  }
0xc: {  	[smem:$0x3FAE] =	sst s4  }
0xd: {  	[smem:$0x3FAF] =	sst s5  }
0xe: {  	[smem:$0x3FB0] =	sst s6  }
0xf: {  	[smem:$0x3FB1] =	sst s7  }
0x10: {  	[smem:$0x3FB2] =	sst s8  }
0x11: {  	[smem:$0x3FB3] =	sst s9;
	s0 =	simm.s32 @!p0 $0x0  }
0x12: {  	s1 =	sld [smem:$0x3F99];
	s0 =	simm.s32 @p0 $0x1  }
0x13: {  	[smem:$0x3FB4] =	sst s0;
	s0 =	simm.s32 @!p1 $0x0  }
0x14: {  	s2 =	sld [smem:$0x3F98];
	s0 =	simm.s32 @p1 $0x1  }
0x15: {  	[smem:$0x3FB5] =	sst s0;
	s0 =	simm.s32 @!p2 $0x0  }
0x16: {  	s3 =	sld [smem:$0x3FDB];
	s0 =	simm.s32 @p2 $0x1  }
0x17: {  	s4 =	simm.s32 $0x1BF5;
	[smem:$0x3FB7] =	sst s0  }
0x18: {  	s0 =	sld [smem:$0x3F9A];
	_ =	swait.ge [sflag:s4], $0x0  }
0x19: {  	s7 =	sld [smem:$0x3F9B]  }
0x1a: {  	s8 =	sadd.s32 $0xFFFFE003, lr  }
0x1b: {  	s9 =	sadd.s32 $0xFFFFFEF7, lr;
	s5 =	simm.s32 $0xFFFFFFFF;
	p2 =	slt.u32 s8, $0xFFFFF086  }
0x1c: {  	p1 =	slt.u32 s9, $0xF7A;
	s5 =	simm.s32 @!p2 $0x0  }
0x1d: {  	s5 =	simm.s32 @p1 $0x1;
	p0 =	seq.s32 s7, s2  }
0x1e: {  	s7 =	smul.u32 @!p0 $0xF7A, s2;
	p2 =	seq.s32 @!p0 s5, $0x0  }
0x1f: {  	s9 =	smul.u32 $0xF7A, s1;
	s8 =	simm.s32 @!p0 $0x1BF5;
	p2 =	por !p2, p0  }
0x20: {  	[sflag:s8] =	ssyncset.s32 @!p0 $0xFFFFF086;
	s6 =	sadd.s32 @!p0 s3, s7;
	s7 =	simm.s32 @!p0 $0x108  }
0x21: {  	s3 =	sadd.s32 s3, s9;
	s6 =	sadd.s32 @!p0 $0x88, s6;
	s7 =	simm.s32 @p2 $0x1082  }
0x22: {  	[simem:s7], [sflag:s8] =	dma.local @!p0 [hbm:s6], $0xF7A  }
0x23: {  	s9 =	sor.u32 $0xD0000000, s2;
	s6 =	simm.s32 $0x108;
	_ =	swait.ge @!p0 [sflag:s8], $0x0  }
0x24: {  	s3 =	sadd.s32 $0x88, s3;
	s6 =	simm.s32 @!p1 $0x1082;
	[sflag:s4] =	ssyncset.s32 $0xFFFFF086  }
0x25: {  	[simem:s6], [sflag:s4] =	dma.local [hbm:s3], $0xF7A  }
0x26: {  	[smem:$0x3F9B] =	sst s1;
	(tag) =	ssettag s2;
	_ =	strace s9  }
0x27: {  	s1 =	sld [smem:$0x3FAB]  }
0x28: {  	s2 =	sld [smem:$0x3FAC]  }
0x29: {  	s4 =	sld [smem:$0x3FAE]  }
0x2a: {  	p0 =	seq.s32 s5, $0x0;
	s5 =	sld [smem:$0x3FAF]  }
0x2b: {  	s6 =	sld [smem:$0x3FB0]  }
0x2c: {  	s7 =	sld [smem:$0x3FB1]  }
0x2d: {  	s3 =	simm.s32 $0x108;
	s8 =	sld [smem:$0x3FB2]  }
0x2e: {  	s3 =	simm.s32 @!p0 $0x1082;
	s9 =	sld [smem:$0x3FB3]  }
0x2f: {  	lr =	sadd.s32 s0, s3;
	s0 =	sld [smem:$0x3FAA]  }
0x30: {  	s3 =	sld [smem:$0x3FAD]  }
0x31: {  	[smem:$0x3FB6] =	sst s10  }
0x32: {  	s10 =	sld [smem:$0x3FB4];
	_ =	sdelay $0x3  }
0x33: {  	p0 =	seq.s32 s10, $0x1;
	s10 =	sld [smem:$0x3FB6];
	_ =	sdelay $0x3  }
0x34: {  	[smem:$0x3FB6] =	sst s10  }
0x35: {  	s10 =	sld [smem:$0x3FB5];
	_ =	sdelay $0x3  }
0x36: {  	p1 =	seq.s32 s10, $0x1;
	s10 =	sld [smem:$0x3FB6];
	_ =	sdelay $0x3  }
0x37: {  	[smem:$0x3FB6] =	sst s10  }
0x38: {  	s10 =	sld [smem:$0x3FB7]  }
0x39: {  	_ = 	snop;
	(pc) =	sbr.ind lr, $3  }
0x3a: {  	_ = 	snop  }
0x3b: {  	_ = 	snop  }
0x3c: {  	p2 =	seq.s32 s10, $0x1;
	s10 =	sld [smem:$0x3FB6]  }
0x3d: {  	_ =	shalt  }
0x3e: {  	_ =	shalt  }
0x3f: {  	_ =	shalt  }
0x40: {  	_ =	shalt  }
0x41: {  	_ =	shalt  }
0x42: {  	_ =	shalt  }
0x43: {  	_ =	shalt  }
0x44: {  	_ =	shalt  }
0x45: {  	_ =	shalt  }
0x46: {  	_ =	shalt  }
0x47: {  	_ =	shalt  }
0x48: {  	_ =	shalt  }
0x49: {  	_ =	shalt  }
0x4a: {  	_ =	shalt  }
0x4b: {  	_ =	shalt  }
0x4c: {  	_ =	shalt  }
0x4d: {  	_ =	shalt  }
0x4e: {  	_ =	shalt  }
0x4f: {  	_ =	shalt  }
0x50: {  	_ =	shalt  }
0x51: {  	_ =	shalt  }
0x52: {  	_ =	shalt  }
0x53: {  	_ =	shalt  }
0x54: {  	_ =	shalt  }
0x55: {  	_ =	shalt  }
0x56: {  	_ =	shalt  }
0x57: {  	_ =	shalt  }
0x58: {  	_ =	shalt  }
0x59: {  	_ =	shalt  }
0x5a: {  	_ =	shalt  }
0x5b: {  	_ =	shalt  }
0x5c: {  	_ =	shalt  }
0x5d: {  	_ =	shalt  }
0x5e: {  	_ =	shalt  }
0x5f: {  	_ =	shalt  }
0x60: {  	_ =	shalt  }
0x61: {  	_ =	shalt  }
0x62: {  	_ =	shalt  }
0x63: {  	_ =	shalt  }
0x64: {  	_ =	shalt  }
0x65: {  	_ =	shalt  }
0x66: {  	_ =	shalt  }
0x67: {  	_ =	shalt  }
0x68: {  	_ =	shalt  }
0x69: {  	_ =	shalt  }
0x6a: {  	_ =	shalt  }
0x6b: {  	_ =	shalt  }
0x6c: {  	_ =	shalt  }
0x6d: {  	_ =	shalt  }
0x6e: {  	_ =	shalt  }
0x6f: {  	_ =	shalt  }
0x70: {  	_ =	shalt  }
0x71: {  	_ =	shalt  }
0x72: {  	_ =	shalt  }
0x73: {  	_ =	shalt  }
0x74: {  	_ =	shalt  }
0x75: {  	_ =	shalt  }
0x76: {  	_ =	shalt  }
0x77: {  	_ =	shalt  }
0x78: {  	_ =	shalt  }
0x79: {  	_ =	shalt  }
0x7a: {  	_ =	shalt  }
0x7b: {  	_ =	shalt  }
0x7c: {  	_ =	shalt  }
0x7d: {  	_ =	shalt  }
0x7e: {  	_ =	shalt  }
0x7f: {  	_ =	shalt  }
0x80: {  	_ =	shalt  }
0x81: {  	_ =	shalt  }
0x82: {  	_ =	shalt  }
0x83: {  	_ =	shalt  }
0x84: {  	_ =	shalt  }
0x85: {  	_ =	shalt  }
0x86: {  	_ =	shalt  }
0x87: {  	_ =	shalt  }
.Lfunc_end0:
.L_simem_size_0:
called_computation_lowered:
.L_overlay_start_0:
0x88: {  	s2 =	sld [smem:$0x3FD9]  }
0x89: {  	s3 =	sld [smem:$0x3FFE];
	_ =	sdelay $0x1  }
0x8a: {  	s1 =	srdreg.scid  }
0x8b: {  	s0 =	sand.u32 $0x1, s1  }
0x8c: {  	s16 =	sshll.u32 s0, $0xA;
	s2 =	sadd.s32 s3, s2  }
0x8d: {  	s2 =	sadd.s32 s2, s16  }
0x8e: {  	[smem:$0x3FC2] =	sst s2  }
0x8f: {  	_ = 	snop  }
0x90: {  	(tm) =	ssettm $0x1  }
0x91: {  	s17 =	sld [smem:$0x3FFB];
	_ =	sdelay $0x3  }
0x92: {  	_ =	strace s17  }
0x93: {  	s2 =	sld [smem:$0x3FFC];
	_ =	sdelay $0x3  }
0x94: {  	_ =	strace s2  }
0x95: {  	s2 =	sld [smem:$0x3FFD];
	_ =	sdelay $0x3  }
0x96: {  	_ =	strace s2  }
0x97: {  	_ =	strace $0x8FFFFFFF  }
0x98: {  	s18 =	sld [smem:$0x3FDB];
	_ =	sdelay $0x1  }
0x99: {  	s19 =	simm.s32 $_scs_section_size  }
0x9a: {  	s4 =	simm.s32 $_size__tile_overlayer_lowered;
	s5 =	simm.s32 $_tile_overlayer_lowered  }
0x9b: {  	s22 =	simm.s32 $0x1BFF;
	s21 =	sshll.u32 s5, $0x1;
	s2 =	sadd.s32 s19, s18  }
0x9c: {  	s6 =	simm.s32 $0x0;
	s20 =	sshll.u32 s4, $0x1;
	s4 =	sadd.s32 s21, s2  }
0x9d: {  	[timem:s6], [sflag:s22] =	dma.local [hbm:s4], s20  }
0x9e: {  	_ =	swait.ge [sflag:s22], s20  }
0x9f: {  	s3 =	ssub.s32 $0x0, s20;
	[sflag:s22] =	ssyncset.done $0x0  }
0xa0: {  	[sflag:s22] =	ssyncadd.s32 s3;
	_ =	sdelay $0x1  }
0xa1: {  	s23 =	simm.s32 $0x1B8B  }
0xa2: {  	_ =	swait.ge [sflag:s23], $0x1  }
0xa3: {  	[sflag:s23] =	ssyncset.done $0x0  }
0xa4: {  	s25 =	simm.s32 $0x1B8E;
	s24 =	sld [smem:$0x3FFE];
	[sflag:s23] =	ssyncadd.s32 $0xFFFFFFFF  }
0xa5: {  	s26 =	simm.s32 $execute0_lowered;
	[smem:$0x3FD2] =	sst s25  }
0xa6: {  	s4 =	sshll.u32 s26, $0x1;
	_ =	strace $0x80000046;
	[dreg:$0x1] =	wrdreg $0xFFFFFFFF  }
0xa7: {  	s28 =	simm.s32 $_size_execute0_lowered;
	s2 =	sadd.s32 s2, s4;
	[dreg:$0x0] =	wrdreg $0x0  }
0xa8: {  	s4 =	sshll.u32 s28, $0x1;
	[dreg:$0x2] =	wrdreg s2  }
0xa9: {  	[dreg:$0x3] =	wrdreg s4  }
0xaa: {  	[dreg:$0x4] =	wrdreg $0xC0  }
0xab: {  	_ =	task [dreg:s6], $0x5FFFF  }
0xac: {  	[dreg:$0x1] =	wrdreg $0xFFFFFFFF  }
0xad: {  	[dreg:$0x0] =	wrdreg $0x60  }
0xae: {  	[dreg:$0x2] =	wrdreg s24  }
0xaf: {  	[dreg:$0x3] =	wrdreg $0x40800  }
0xb0: {  	[dreg:$0x4] =	wrdreg $0x9  }
0xb1: {  	_ =	task.clear_ibuf [dreg:s6], $0x5FFFF;
	_ =	strace $0x90000046  }
0xb2: {  	s29 =	simm.s32 $0x9;
	_ =	strace $0x80000048  }
0xb3: {  	_ =	swait.ge [sflag:s29], $0x1  }
0xb4: {  	[sflag:s29] =	ssyncadd.s32 $0xFFFFFFFF  }
0xb5: {  	_ =	strace $0x90000048  }
0xb6: {  	_ =	sfence  }
0xb7: {  	s30 =	sld [smem:$0x0];
	_ =	sdelay $0x2  }
0xb8: {  	s31 =	sshll.u32 s1, $0xD;
	s1 =	sshrl.u32 s1, $0x2  }
0xb9: {  	s3 =	sand.u32 $0x4000, s31;
	s1 =	sadd.s32 s1, s30  }
0xba: {  	s0 =	sor.u32 s3, s0;
	s1 =	sshll.u32 s1, $0x11  }
0xbb: {  	s0 =	sor.u32 s1, s0  }
0xbc: {  	s0 =	sadd.s32 $0x8F2B, s0  }
0xbd: {  	[sflag:s0] =	ssyncadd.remote.s32 $0x1  }
0xbe: {  	_ =	sfence.sel $0xFFFF  }
0xbf: {  	[dreg:$0x0] =	wrdreg $0xFFFFFFFF;
	(pc) =	sbr.abs _section_cstart, $3  }
0xc0: {  	[dreg:$0x1] =	wrdreg $0xFFFFFFFF  }
0xc1: {  	_ =	task.clear_ibuf [dreg:s6], $0x2FFFF;
	_ =	strace $0x9FFFFFFF  }
0xc2: {  	(tm) =	ssettm $0x7FFFFFFF  }
0xc3: {  	_ =	shalt  }
tec
execute0_lowered:
.L_overlay_start_1:
0x0: {  	(tag) =	ssettag $0x1  }
0x1: {  	s0 =	srdreg.scid  }
0x2: {  	s5 =	sand.u32 $0x1, s0  }
0x3: {  	s0 =	stileid.u32;
	s3 =	smul.u32 $0x270, s5  }
0x4: {  	s6 =	rddreg [dreg:$0x0];
	s4 =	smul.u32 $0x27, s0  }
0x5: {  	s2 =	rddreg [dreg:$0x1];
	s14 =	simm.s32 $0x0;
	s29 =	smul.u32 $0x2800, s0  }
0x6: {  	s1 =	sshll.u32 s5, $0x4;
	s9 =	smul.u32 $0x28000, s5;
	s30 =	ssub.s32 $0x2, s5  }
0x7: {  	s11 =	smul.u32 $0x50000, s0;
	s5 =	sadd.s32 $0x6400, s6;
	s31 =	sshll.u32 s0, $0x6  }
0x8: {  	s7 =	sor.u32 s0, s1;
	s1 =	rddreg [dreg:$0x2];
	s12 =	sshrl.u32 s30, $0x1  }
0x9: {  	s4 =	sadd.s32 s4, s3;
	s8 =	smin.u32 s7, $0x2;
	s3 =	simm.s32 $0x0  }
0xa: {  	s11 =	sshrl.u32 s11, $0x2;
	p0 =	slt.u32 s7, $0x2;
	s4 =	sadd.s32 s8, s4  }
0xb: {  	[smem:$0x7FF] =	sst s3;
	s8 =	sadd.s32 s29, s9;
	s9 =	ssub.s32 s30, s12  }
0xc: {  	s13 =	sadd.s32 s11, s2;
	s11 =	simm.s32 $0x1;
	s12 =	sor.u32 $0x1C01, s31  }
0xd: {  	s4 =	sshll.u32 s4, $0x4;
	_ =	strace $0x80000047;
	s8 =	sadd.s32 s8, s6  }
0xe: {  	s13 =	sshrl.u32 s13, $0x3;
	s10 =	sadd.s32 s4, s6;
	s4 =	sadd.s32 $0x5C00, s6  }
0xf: {  	s6 =	simm.s32 $0x28;
	s7 =	sadd.s32 $0x8C00, s8;
	s8 =	smax.u32 s9, $0x1  }
0x10: {  	s6 =	simm.s32 @!p0 $0x27;
	s9 =	sadd.s32 $0xC00, s10;
	s10 =	simm.s32 $0x80  }
.LBB2_1:
0x11: {  	[tilespmem:s10], [sflag:$0x1] =	stream.linear.gather [hbm4b:s4+s3], $0x4000, $0x38;
	[tilespmem:$0x18080] =	vst v63  }
0x12: {  	_ =	swait.ge [sflag:s11], $0x4000  }
0x13: {  	[sflag:s11] =	ssyncset.done $0x0  }
0x14: {  	[sflag:s11] =	ssyncadd.s32 $0xFFFFC000  }
0x15: {  	[spmem:s13], [sflag:s12] =	dma.local [hbm:s5], $0x2800  }
0x16: {  	_ =	swait.ge [sflag:s11], $0x2800  }
0x17: {  	[sflag:s11] =	ssyncset.done $0x0  }
0x18: {  	[sflag:s11] =	ssyncadd.s32 $0xFFFFD800  }
0x19: {  	[bflag:$0x0] =	sbarrier.arrive $0xFFFF  }
0x1a: {  	[tilespmem:s3], [sflag:$0x1] =	stream.linear.gather [hbm4b:s9+s3], $0x80, $0x38;
	[tilespmem:$0x18080] =	vst v63  }
0x1b: {  	p0 =	sne.s32 s6, $0x1;
	_ =	swait.ge [sflag:s11], $0x80  }
.Ltmp0:
0x1c: {  	[sflag:s11] =	ssyncset.done $0x0;
	(pc) =	sbr.rel @!p0 .LBB2_3-.Ltmp0, $4  }
0x1d: {  	[sflag:s11] =	ssyncadd.s32 $0xFFFFFF80  }
0x1e: {  	[spmem:s2] =	stream.indirect.scatter.add.f32 [tilespmem:s10], [sflag:$0x1], $0x80, s3, s10, $0xb8;
	[tilespmem:$0x18080] =	vst v63  }
0x1f: {  	_ =	swait.ge [sflag:s11], $0x4000  }
0x20: {  	s15 =	sadd.s32 $0xFFFFFFFF, s6;
	s16 =	smov.u32 s9;
	[sflag:s11] =	ssyncset.done $0x0  }
.LBB2_2:
0x21: {  	p0 =	sne.s32 s15, $0x1;
	[sflag:s11] =	ssyncadd.s32 $0xFFFFC000;
	s16 =	sadd.s32 $0x10, s16  }
0x22: {  	[tilespmem:s3], [sflag:$0x1] =	stream.linear.gather [hbm4b:s16+s3], $0x80, $0x38;
	[tilespmem:$0x18080] =	vst v63  }
0x23: {  	s15 =	sadd.s32 $0xFFFFFFFF, s15;
	_ =	swait.ge [sflag:s11], $0x80  }
.Ltmp1:
0x24: {  	[sflag:s11] =	ssyncset.done $0x0;
	(pc) =	sbr.rel @p0 .LBB2_2-.Ltmp1, $4  }
0x25: {  	[sflag:s11] =	ssyncadd.s32 $0xFFFFFF80  }
0x26: {  	[spmem:s2] =	stream.indirect.scatter.add.f32 [tilespmem:s10], [sflag:$0x1], $0x80, s3, s10, $0xb8;
	[tilespmem:$0x18080] =	vst v63  }
0x27: {  	_ =	swait.ge [sflag:s11], $0x4000  }
0x28: {  	[sflag:s11] =	ssyncset.done $0x0  }
.LBB2_3:
0x29: {  	s14 =	sadd.s32 $0x1, s14  }
0x2a: {  	[sflag:s11] =	ssyncadd.s32 $0xFFFFC000;
	p0 =	sne.s32 s14, s8  }
.Ltmp2:
0x2b: {  	[bflag:$0x0] =	sbarrier.arrive $0xFFFF;
	(pc) =	sbr.rel @p0 .LBB2_1-.Ltmp2, $4  }
0x2c: {  	[hbm:s7], [sflag:s12] =	dma.local [spmem:s13], $0x2800  }
0x2d: {  	_ =	swait.ge [sflag:s11], $0x2800  }
0x2e: {  	[sflag:s11] =	ssyncset.done $0x0  }
0x2f: {  	[sflag:s11] =	ssyncadd.s32 $0xFFFFD800  }
0x30: {  	_ =	sfence.sel $0x180000  }
0x31: {  	[bflag:$0x0] =	sbarrier.arrive $0xFFFF  }
0x32: {  	p0 =	sne.s32 s0, $0x0;
	_ =	strace $0x90000047  }
0x33: {  	s0 =	sadd.s32 @!p0 $0x100000, s1;
	[bflag:$0x2] =	sbarrier.arrive $0xFFFF  }
0x34: {  	[sflag:s0] =	ssyncadd.tile.s32 @!p0 $0x1;
	_ =	shalt  }
.Lfunc_end2:
_tile_overlayer_lowered:
.L_overlay_start_2:
0x35: {  	(tag) =	ssettag $0x2  }
0x36: {  	s0 =	rddreg [dreg:$0x0];
	s2 =	stileid.u32  }
0x37: {  	s1 =	rddreg [dreg:$0x1];
	p0 =	sne.s32 s2, $0x0  }
0x38: {  	s3 =	rddreg [dreg:$0x2];
	[bflag:$0x3] =	sbarrier.arrive $0xFFFF;
	s2 =	simm.s32 @!p0 $0x1C01  }
0x39: {  	[timem:s3], [sflag:s2] =	dma.local @!p0 [hbm:s0], s1  }
0x3a: {  	s0 =	simm.s32 @!p0 $0x1  }
0x3b: {  	_ =	swait.ge @!p0 [sflag:s0], s1  }
0x3c: {  	s1 =	ssub.s32 @!p0 $0x0, s1;
	[sflag:s0] =	ssyncset.done @!p0 $0x0  }
0x3d: {  	[sflag:s0] =	ssyncadd.s32 @!p0 s1  }
0x3e: {  	[bflag:$0x3] =	sbarrier.arrive $0xFFFF  }
0x3f: {  	_ =	shalt  }

</sc_bundles>
